<compile_context>
chip_gen: v7x
topology: tpu7x:2x2x1
jax: 0.10.2.dev20260603
libtpu: 0.0.44.dev20260713+nightly
codegen_flags: <defaults>
</compile_context>

<pallas_src>
import jax
import jax.numpy as jnp
from jax import lax
from jax.experimental import pallas as pl
from jax.experimental.pallas import tpu as pltpu
from jax.experimental.pallas import tpu_sc as plsc

B = 8
C = 128
T = 64
N = B * T
L = 16
NC = 2
W = 32


def _sc_body(y_hbm, yi_hbm, yv, yiv):
  k = lax.axis_index("c")
  s = lax.axis_index("s")
  w = k * 16 + s
  b = w // 4
  q = w % 4

  pltpu.sync_copy(y_hbm.at[b], yv)

  t0 = q * L
  bests = []
  bestis = []
  for r in range(4):
    c0 = 32 * r
    best = yv[c0, pl.ds(t0, L)]
    besti = jnp.full((L,), jnp.float32(c0), jnp.float32)
    for c in range(c0 + 1, c0 + 32):
      row = yv[c, pl.ds(t0, L)]
      m = row > best
      best = jnp.where(m, row, best)
      besti = jnp.where(m, jnp.float32(c), besti)
    bests.append(best)
    bestis.append(besti)
  m01 = bests[1] > bests[0]
  b01 = jnp.where(m01, bests[1], bests[0])
  i01 = jnp.where(m01, bestis[1], bestis[0])
  m23 = bests[3] > bests[2]
  b23 = jnp.where(m23, bests[3], bests[2])
  i23 = jnp.where(m23, bestis[3], bestis[2])
  mf = b23 > b01
  besti = jnp.where(mf, i23, i01)

  yiv[...] = besti
  pltpu.sync_copy(yiv, yi_hbm.at[w])


def _tc_s_body(x_ref, s_ref):
  s_ref[...] = jnp.sum(x_ref[...], axis=(0, 2))


def _tc_dot_body(s_ref, yi_ref, o_ref):
  yi3 = yi_ref[...][:, :, None]
  cio = lax.broadcasted_iota(jnp.int32, (W, L, C), 2).astype(jnp.float32)
  g_tot = jnp.sum(jnp.abs(yi3 - cio), axis=(0, 1))
  tot = jnp.sum(s_ref[...] * g_tot) * jnp.float32(1.0 / (N * C))
  o_ref[0] = tot


@jax.jit
def _wasserstein(x, y):
  mesh = plsc.VectorSubcoreMesh(core_axis_name="c", subcore_axis_name="s")
  yi_part = pl.kernel(
      _sc_body,
      out_type=jax.ShapeDtypeStruct((W, L), jnp.float32),
      mesh=mesh,
      scratch_types=[
          pltpu.VMEM((C, T), jnp.float32),
          pltpu.VMEM((L,), jnp.float32),
      ],
  )(y)
  s_tot = pl.pallas_call(
      _tc_s_body,
      out_shape=jax.ShapeDtypeStruct((C,), jnp.float32),
  )(x)
  out = pl.pallas_call(
      _tc_dot_body,
      out_shape=jax.ShapeDtypeStruct((1,), jnp.float32),
      out_specs=pl.BlockSpec(memory_space=pltpu.SMEM),
  )(s_tot, yi_part)
  return out[0]


def kernel(x, y, dist_matrix):
  del dist_matrix
  return _wasserstein(x, y)

# --- scband reference (transcript-rebuilt; emitter-appended) ---
"""Pipeline reference for scband-discrete-wasserstein-25563645346022 (READ-ONLY COPY).

The authoritative reference and input builder live on the scoring server;
editing this copy changes nothing except your own understanding.
"""

import jax, jax.numpy as jnp
import numpy as np

NUM_CLASSES = 128
BATCH = 8
TIME = 64

def setup_inputs(seed: int = 0) -> dict:
    key = jax.random.key(seed)
    k1, k2 = jax.random.split(key)
    x = jax.random.uniform(k1, (BATCH, NUM_CLASSES, TIME), dtype=jnp.float32)
    y = jax.random.uniform(k2, (BATCH, NUM_CLASSES, TIME), dtype=jnp.float32)
    # dist_matrix buffer built in __init__ when dist_matrix is truthy: |i - j|
    col = jnp.arange(NUM_CLASSES)[:, None]
    row = jnp.arange(NUM_CLASSES)[None, :]
    dist_matrix = jnp.abs(col - row).astype(jnp.float32)
    return {"x": x, "y": y, "dist_matrix": dist_matrix}

def reference(x, y, dist_matrix):
    batch, classes, time = x.shape
    # x: (B, C, T) -> (B*T, C)
    xf = jnp.transpose(x, (0, 2, 1)).reshape(-1, classes)
    # mode == 'one_hot': argmax over class dim
    yi = jnp.argmax(y, axis=1)            # (B, T) int
    yi = yi.reshape(-1, 1)                # (N, 1)
    # gather rows of the distance matrix: (N, 1, C)
    dists = dist_matrix[yi]
    # NOTE: faithful to the torch module, xf (N, C) broadcasts against
    # dists (N, 1, C) producing an (N, N, C) intermediate, summed over dim 1.
    costs = jnp.sum(xf * dists, axis=1)   # (N, C)
    return jnp.mean(costs)

if __name__ == "__main__":
    import jax
    _d = setup_inputs()
    print(jax.jit(kernel)(*tuple(_d.values())))

</pallas_src>

<mosaic_0001>
#map = affine_map<(d0, d1) -> (0, 0, 0)>
#map1 = affine_map<(d0, d1) -> (0, 0)>
module attributes {stable_mosaic.version = 14 : i64} {
  func.func @_sc_body(%arg0: i32, %arg1: i32, %arg2: memref<8x128x64xf32, #tpu.memory_space<hbm>>, %arg3: memref<32x16xf32, #tpu.memory_space<hbm>>, %arg4: memref<128x64xf32, #tpu.memory_space<vmem>>, %arg5: memref<16xf32, #tpu.memory_space<vmem>>) attributes {dimension_semantics = [#tpu.dimension_semantics<core_parallel>, #tpu.dimension_semantics<subcore_parallel>], iteration_bounds = array<i64: 2, 16>, scalar_prefetch = 0 : i64, scratch_operands = 2 : i64, tpu.core_type = #tpu.core_type<sc_vector_subcore>, window_params = [{transform_indices = #map}, {transform_indices = #map1}]} {
    %mul3A = arith.constant 16 : i32
    %mul3A_0 = arith.muli %arg0, %mul3A : i32
    %add3A = arith.addi %mul3A_0, %arg1 : i32
    %jit3A = arith.constant 4 : i32
    %div3A = arith.divsi %add3A, %jit3A : i32
    %sign3A = arith.constant 0 : i32
    %sign3A_1 = arith.cmpi sgt, %add3A, %sign3A : i32
    %sign3A_2 = arith.extui %sign3A_1 : i1 to i32
    %sign3A_3 = arith.constant 0 : i32
    %sign3A_4 = arith.cmpi slt, %add3A, %sign3A_3 : i32
    %sign3A_5 = arith.extui %sign3A_4 : i1 to i32
    %sign3A_6 = arith.subi %sign3A_2, %sign3A_5 : i32
    %sign3A_7 = arith.constant 0 : i32
    %sign3A_8 = arith.cmpi sgt, %jit3A, %sign3A_7 : i32
    %sign3A_9 = arith.extui %sign3A_8 : i1 to i32
    %sign3A_10 = arith.constant 0 : i32
    %sign3A_11 = arith.cmpi slt, %jit3A, %sign3A_10 : i32
    %sign3A_12 = arith.extui %sign3A_11 : i1 to i32
    %sign3A_13 = arith.subi %sign3A_9, %sign3A_12 : i32
    %ne3A = arith.cmpi ne, %sign3A_6, %sign3A_13 : i32
    %rem3A = arith.remsi %add3A, %jit3A : i32
    %ne3A_14 = arith.constant 0 : i32
    %ne3A_15 = arith.cmpi ne, %rem3A, %ne3A_14 : i32
    %and3A = arith.andi %ne3A, %ne3A_15 : i1
    %sub3A = arith.constant 1 : i32
    %sub3A_16 = arith.subi %div3A, %sub3A : i32
    %select_n3A = arith.select %and3A, %sub3A_16, %div3A : i32
    %jit3A_17 = arith.constant 4 : i32
    %eq3A = arith.constant 0 : i32
    %eq3A_18 = arith.cmpi eq, %jit3A_17, %eq3A : i32
    %jit3A_19 = arith.constant 1 : i32
    %select_n3A_20 = arith.select %eq3A_18, %jit3A_19, %jit3A_17 : i32
    %rem3A_21 = arith.remsi %add3A, %select_n3A_20 : i32
    %ne3A_22 = arith.constant 0 : i32
    %ne3A_23 = arith.cmpi ne, %rem3A_21, %ne3A_22 : i32
    %lt3A = arith.constant 0 : i32
    %lt3A_24 = arith.cmpi slt, %rem3A_21, %lt3A : i32
    %lt3A_25 = arith.constant 0 : i32
    %lt3A_26 = arith.cmpi slt, %select_n3A_20, %lt3A_25 : i32
    %ne3A_27 = arith.xori %lt3A_24, %lt3A_26 : i1
    %and3A_28 = arith.andi %ne3A_27, %ne3A_23 : i1
    %add3A_29 = arith.addi %rem3A_21, %select_n3A_20 : i32
    %select_n3A_30 = arith.select %and3A_28, %add3A_29, %rem3A_21 : i32
    "tpu.region"() ({
      %run_scoped3A = tpu.sem_alloc : memref<!tpu.dma_semaphore, #tpu.memory_space<semaphore_mem>>
      %dma_start3A = arith.constant 0 : i32
      %dma_start3A_1309 = arith.constant 0 : i32
      %dma_start3A_1310 = tpu.memref_slice %arg2[%select_n3A, %dma_start3A, %dma_start3A_1309] : memref<8x128x64xf32, #tpu.memory_space<hbm>> -> memref<1x128x64xf32, #tpu.memory_space<hbm>>
      %dma_start3A_1311 = tpu.memref_squeeze %dma_start3A_1310 : memref<1x128x64xf32, #tpu.memory_space<hbm>> -> memref<128x64xf32, #tpu.memory_space<hbm>>
      %dma_start3A_1312 = arith.constant 0 : i32
      %dma_start3A_1313 = arith.constant 0 : i32
      %dma_start3A_1314 = tpu.memref_slice %arg2[%select_n3A, %dma_start3A_1312, %dma_start3A_1313] : memref<8x128x64xf32, #tpu.memory_space<hbm>> -> memref<1x128x64xf32, #tpu.memory_space<hbm>>
      %dma_start3A_1315 = tpu.memref_squeeze %dma_start3A_1314 : memref<1x128x64xf32, #tpu.memory_space<hbm>> -> memref<128x64xf32, #tpu.memory_space<hbm>>
      tpu.enqueue_dma source(%dma_start3A_1315 : memref<128x64xf32, #tpu.memory_space<hbm>>) target(%arg4 : memref<128x64xf32, #tpu.memory_space<vmem>>) target_semaphore(%run_scoped3A : memref<!tpu.dma_semaphore, #tpu.memory_space<semaphore_mem>>)
      %dma_wait3A = arith.constant 0 : i32
      %dma_wait3A_1316 = arith.constant 0 : i32
      %dma_wait3A_1317 = tpu.memref_slice %arg2[%select_n3A, %dma_wait3A, %dma_wait3A_1316] : memref<8x128x64xf32, #tpu.memory_space<hbm>> -> memref<1x128x64xf32, #tpu.memory_space<hbm>>
      %dma_wait3A_1318 = tpu.memref_squeeze %dma_wait3A_1317 : memref<1x128x64xf32, #tpu.memory_space<hbm>> -> memref<128x64xf32, #tpu.memory_space<hbm>>
      %dma_wait3A_1319 = arith.constant 0 : i32
      %dma_wait3A_1320 = arith.constant 0 : i32
      %dma_wait3A_1321 = tpu.memref_slice %arg2[%select_n3A, %dma_wait3A_1319, %dma_wait3A_1320] : memref<8x128x64xf32, #tpu.memory_space<hbm>> -> memref<1x128x64xf32, #tpu.memory_space<hbm>>
      %dma_wait3A_1322 = tpu.memref_squeeze %dma_wait3A_1321 : memref<1x128x64xf32, #tpu.memory_space<hbm>> -> memref<128x64xf32, #tpu.memory_space<hbm>>
      tpu.wait_dma2 semaphore(%run_scoped3A : memref<!tpu.dma_semaphore, #tpu.memory_space<semaphore_mem>>) src(%dma_wait3A_1322 : memref<128x64xf32, #tpu.memory_space<hbm>>) dst(%arg4 : memref<128x64xf32, #tpu.memory_space<vmem>>)
      tpu.yield
    }) : () -> ()
    %mul3A_31 = arith.constant 16 : i32
    %mul3A_32 = arith.muli %select_n3A_30, %mul3A_31 : i32
    %get3A = arith.constant 0 : i32
    %get3A_33 = arith.index_cast %get3A : i32 to index
    %get3A_34 = arith.index_cast %mul3A_32 : i32 to index
    %get3A_35 = tpu.vector_load %arg4[%get3A_33, %get3A_34] {strides = array<i32>} : memref<128x64xf32, #tpu.memory_space<vmem>>, vector<1x16xf32>,
    %get3A_36 = vector.shape_cast %get3A_35 : vector<1x16xf32> to vector<16xf32>
    %broadcast_in_dim3A = arith.constant 0.000000e+00 : f32
    %broadcast_in_dim3A_37 = vector.broadcast %broadcast_in_dim3A : f32 to vector<16xf32>
    %get3A_38 = arith.constant 1 : i32
    %get3A_39 = arith.index_cast %get3A_38 : i32 to index
    %get3A_40 = arith.index_cast %mul3A_32 : i32 to index
    %get3A_41 = tpu.vector_load %arg4[%get3A_39, %get3A_40] {strides = array<i32>} : memref<128x64xf32, #tpu.memory_space<vmem>>, vector<1x16xf32>,
    %get3A_42 = vector.shape_cast %get3A_41 : vector<1x16xf32> to vector<16xf32>
    %gt3A = arith.cmpf ogt, %get3A_42, %get3A_36 : vector<16xf32>
    %select_n3A_43 = arith.select %gt3A, %get3A_42, %get3A_36 : vector<16xi1>, vector<16xf32>
    %jit3A_44 = arith.constant 1.000000e+00 : f32
    %broadcast_in_dim3A_45 = vector.broadcast %jit3A_44 : f32 to vector<16xf32>
    %select_n3A_46 = arith.select %gt3A, %broadcast_in_dim3A_45, %broadcast_in_dim3A_37 : vector<16xi1>, vector<16xf32>
    %get3A_47 = arith.constant 2 : i32
    %get3A_48 = arith.index_cast %get3A_47 : i32 to index
    %get3A_49 = arith.index_cast %mul3A_32 : i32 to index
    %get3A_50 = tpu.vector_load %arg4[%get3A_48, %get3A_49] {strides = array<i32>} : memref<128x64xf32, #tpu.memory_space<vmem>>, vector<1x16xf32>,
    %get3A_51 = vector.shape_cast %get3A_50 : vector<1x16xf32> to vector<16xf32>
    %gt3A_52 = arith.cmpf ogt, %get3A_51, %select_n3A_43 : vector<16xf32>
    %select_n3A_53 = arith.select %gt3A_52, %get3A_51, %select_n3A_43 : vector<16xi1>, vector<16xf32>
    %jit3A_54 = arith.constant 2.000000e+00 : f32
    %broadcast_in_dim3A_55 = vector.broadcast %jit3A_54 : f32 to vector<16xf32>
    %select_n3A_56 = arith.select %gt3A_52, %broadcast_in_dim3A_55, %select_n3A_46 : vector<16xi1>, vector<16xf32>
    %get3A_57 = arith.constant 3 : i32
    %get3A_58 = arith.index_cast %get3A_57 : i32 to index
    %get3A_59 = arith.index_cast %mul3A_32 : i32 to index
    %get3A_60 = tpu.vector_load %arg4[%get3A_58, %get3A_59] {strides = array<i32>} : memref<128x64xf32, #tpu.memory_space<vmem>>, vector<1x16xf32>,
    %get3A_61 = vector.shape_cast %get3A_60 : vector<1x16xf32> to vector<16xf32>
    %gt3A_62 = arith.cmpf ogt, %get3A_61, %select_n3A_53 : vector<16xf32>
    %select_n3A_63 = arith.select %gt3A_62, %get3A_61, %select_n3A_53 : vector<16xi1>, vector<16xf32>
    %jit3A_64 = arith.constant 3.000000e+00 : f32
    %broadcast_in_dim3A_65 = vector.broadcast %jit3A_64 : f32 to vector<16xf32>
    %select_n3A_66 = arith.select %gt3A_62, %broadcast_in_dim3A_65, %select_n3A_56 : vector<16xi1>, vector<16xf32>
    %get3A_67 = arith.constant 4 : i32
    %get3A_68 = arith.index_cast %get3A_67 : i32 to index
    %get3A_69 = arith.index_cast %mul3A_32 : i32 to index
    %get3A_70 = tpu.vector_load %arg4[%get3A_68, %get3A_69] {strides = array<i32>} : memref<128x64xf32, #tpu.memory_space<vmem>>, vector<1x16xf32>,
    %get3A_71 = vector.shape_cast %get3A_70 : vector<1x16xf32> to vector<16xf32>
    %gt3A_72 = arith.cmpf ogt, %get3A_71, %select_n3A_63 : vector<16xf32>
    %select_n3A_73 = arith.select %gt3A_72, %get3A_71, %select_n3A_63 : vector<16xi1>, vector<16xf32>
    %jit3A_74 = arith.constant 4.000000e+00 : f32
    %broadcast_in_dim3A_75 = vector.broadcast %jit3A_74 : f32 to vector<16xf32>
    %select_n3A_76 = arith.select %gt3A_72, %broadcast_in_dim3A_75, %select_n3A_66 : vector<16xi1>, vector<16xf32>
    %get3A_77 = arith.constant 5 : i32
    %get3A_78 = arith.index_cast %get3A_77 : i32 to index
    %get3A_79 = arith.index_cast %mul3A_32 : i32 to index
    %get3A_80 = tpu.vector_load %arg4[%get3A_78, %get3A_79] {strides = array<i32>} : memref<128x64xf32, #tpu.memory_space<vmem>>, vector<1x16xf32>,
    %get3A_81 = vector.shape_cast %get3A_80 : vector<1x16xf32> to vector<16xf32>
    %gt3A_82 = arith.cmpf ogt, %get3A_81, %select_n3A_73 : vector<16xf32>
    %select_n3A_83 = arith.select %gt3A_82, %get3A_81, %select_n3A_73 : vector<16xi1>, vector<16xf32>
    %jit3A_84 = arith.constant 5.000000e+00 : f32
    %broadcast_in_dim3A_85 = vector.broadcast %jit3A_84 : f32 to vector<16xf32>
    %select_n3A_86 = arith.select %gt3A_82, %broadcast_in_dim3A_85, %select_n3A_76 : vector<16xi1>, vector<16xf32>
    %get3A_87 = arith.constant 6 : i32
    %get3A_88 = arith.index_cast %get3A_87 : i32 to index
    %get3A_89 = arith.index_cast %mul3A_32 : i32 to index
    %get3A_90 = tpu.vector_load %arg4[%get3A_88, %get3A_89] {strides = array<i32>} : memref<128x64xf32, #tpu.memory_space<vmem>>, vector<1x16xf32>,
    %get3A_91 = vector.shape_cast %get3A_90 : vector<1x16xf32> to vector<16xf32>
    %gt3A_92 = arith.cmpf ogt, %get3A_91, %select_n3A_83 : vector<16xf32>
    %select_n3A_93 = arith.select %gt3A_92, %get3A_91, %select_n3A_83 : vector<16xi1>, vector<16xf32>
    %jit3A_94 = arith.constant 6.000000e+00 : f32
    %broadcast_in_dim3A_95 = vector.broadcast %jit3A_94 : f32 to vector<16xf32>
    %select_n3A_96 = arith.select %gt3A_92, %broadcast_in_dim3A_95, %select_n3A_86 : vector<16xi1>, vector<16xf32>
    %get3A_97 = arith.constant 7 : i32
    %get3A_98 = arith.index_cast %get3A_97 : i32 to index
    %get3A_99 = arith.index_cast %mul3A_32 : i32 to index
    %get3A_100 = tpu.vector_load %arg4[%get3A_98, %get3A_99] {strides = array<i32>} : memref<128x64xf32, #tpu.memory_space<vmem>>, vector<1x16xf32>,
    %get3A_101 = vector.shape_cast %get3A_100 : vector<1x16xf32> to vector<16xf32>
    %gt3A_102 = arith.cmpf ogt, %get3A_101, %select_n3A_93 : vector<16xf32>
    %select_n3A_103 = arith.select %gt3A_102, %get3A_101, %select_n3A_93 : vector<16xi1>, vector<16xf32>
    %jit3A_104 = arith.constant 7.000000e+00 : f32
    %broadcast_in_dim3A_105 = vector.broadcast %jit3A_104 : f32 to vector<16xf32>
    %select_n3A_106 = arith.select %gt3A_102, %broadcast_in_dim3A_105, %select_n3A_96 : vector<16xi1>, vector<16xf32>
    %get3A_107 = arith.constant 8 : i32
    %get3A_108 = arith.index_cast %get3A_107 : i32 to index
    %get3A_109 = arith.index_cast %mul3A_32 : i32 to index
    %get3A_110 = tpu.vector_load %arg4[%get3A_108, %get3A_109] {strides = array<i32>} : memref<128x64xf32, #tpu.memory_space<vmem>>, vector<1x16xf32>,
    %get3A_111 = vector.shape_cast %get3A_110 : vector<1x16xf32> to vector<16xf32>
    %gt3A_112 = arith.cmpf ogt, %get3A_111, %select_n3A_103 : vector<16xf32>
    %select_n3A_113 = arith.select %gt3A_112, %get3A_111, %select_n3A_103 : vector<16xi1>, vector<16xf32>
    %jit3A_114 = arith.constant 8.000000e+00 : f32
    %broadcast_in_dim3A_115 = vector.broadcast %jit3A_114 : f32 to vector<16xf32>
    %select_n3A_116 = arith.select %gt3A_112, %broadcast_in_dim3A_115, %select_n3A_106 : vector<16xi1>, vector<16xf32>
    %get3A_117 = arith.constant 9 : i32
    %get3A_118 = arith.index_cast %get3A_117 : i32 to index
    %get3A_119 = arith.index_cast %mul3A_32 : i32 to index
    %get3A_120 = tpu.vector_load %arg4[%get3A_118, %get3A_119] {strides = array<i32>} : memref<128x64xf32, #tpu.memory_space<vmem>>, vector<1x16xf32>,
    %get3A_121 = vector.shape_cast %get3A_120 : vector<1x16xf32> to vector<16xf32>
    %gt3A_122 = arith.cmpf ogt, %get3A_121, %select_n3A_113 : vector<16xf32>
    %select_n3A_123 = arith.select %gt3A_122, %get3A_121, %select_n3A_113 : vector<16xi1>, vector<16xf32>
    %jit3A_124 = arith.constant 9.000000e+00 : f32
    %broadcast_in_dim3A_125 = vector.broadcast %jit3A_124 : f32 to vector<16xf32>
    %select_n3A_126 = arith.select %gt3A_122, %broadcast_in_dim3A_125, %select_n3A_116 : vector<16xi1>, vector<16xf32>
    %get3A_127 = arith.constant 10 : i32
    %get3A_128 = arith.index_cast %get3A_127 : i32 to index
    %get3A_129 = arith.index_cast %mul3A_32 : i32 to index
    %get3A_130 = tpu.vector_load %arg4[%get3A_128, %get3A_129] {strides = array<i32>} : memref<128x64xf32, #tpu.memory_space<vmem>>, vector<1x16xf32>,
    %get3A_131 = vector.shape_cast %get3A_130 : vector<1x16xf32> to vector<16xf32>
    %gt3A_132 = arith.cmpf ogt, %get3A_131, %select_n3A_123 : vector<16xf32>
    %select_n3A_133 = arith.select %gt3A_132, %get3A_131, %select_n3A_123 : vector<16xi1>, vector<16xf32>
    %jit3A_134 = arith.constant 1.000000e+01 : f32
    %broadcast_in_dim3A_135 = vector.broadcast %jit3A_134 : f32 to vector<16xf32>
    %select_n3A_136 = arith.select %gt3A_132, %broadcast_in_dim3A_135, %select_n3A_126 : vector<16xi1>, vector<16xf32>
    %get3A_137 = arith.constant 11 : i32
    %get3A_138 = arith.index_cast %get3A_137 : i32 to index
    %get3A_139 = arith.index_cast %mul3A_32 : i32 to index
    %get3A_140 = tpu.vector_load %arg4[%get3A_138, %get3A_139] {strides = array<i32>} : memref<128x64xf32, #tpu.memory_space<vmem>>, vector<1x16xf32>,
    %get3A_141 = vector.shape_cast %get3A_140 : vector<1x16xf32> to vector<16xf32>
    %gt3A_142 = arith.cmpf ogt, %get3A_141, %select_n3A_133 : vector<16xf32>
    %select_n3A_143 = arith.select %gt3A_142, %get3A_141, %select_n3A_133 : vector<16xi1>, vector<16xf32>
    %jit3A_144 = arith.constant 1.100000e+01 : f32
    %broadcast_in_dim3A_145 = vector.broadcast %jit3A_144 : f32 to vector<16xf32>
    %select_n3A_146 = arith.select %gt3A_142, %broadcast_in_dim3A_145, %select_n3A_136 : vector<16xi1>, vector<16xf32>
    %get3A_147 = arith.constant 12 : i32
    %get3A_148 = arith.index_cast %get3A_147 : i32 to index
    %get3A_149 = arith.index_cast %mul3A_32 : i32 to index
    %get3A_150 = tpu.vector_load %arg4[%get3A_148, %get3A_149] {strides = array<i32>} : memref<128x64xf32, #tpu.memory_space<vmem>>, vector<1x16xf32>,
    %get3A_151 = vector.shape_cast %get3A_150 : vector<1x16xf32> to vector<16xf32>
    %gt3A_152 = arith.cmpf ogt, %get3A_151, %select_n3A_143 : vector<16xf32>
    %select_n3A_153 = arith.select %gt3A_152, %get3A_151, %select_n3A_143 : vector<16xi1>, vector<16xf32>
    %jit3A_154 = arith.constant 1.200000e+01 : f32
    %broadcast_in_dim3A_155 = vector.broadcast %jit3A_154 : f32 to vector<16xf32>
    %select_n3A_156 = arith.select %gt3A_152, %broadcast_in_dim3A_155, %select_n3A_146 : vector<16xi1>, vector<16xf32>
    %get3A_157 = arith.constant 13 : i32
    %get3A_158 = arith.index_cast %get3A_157 : i32 to index
    %get3A_159 = arith.index_cast %mul3A_32 : i32 to index
    %get3A_160 = tpu.vector_load %arg4[%get3A_158, %get3A_159] {strides = array<i32>} : memref<128x64xf32, #tpu.memory_space<vmem>>, vector<1x16xf32>,
    %get3A_161 = vector.shape_cast %get3A_160 : vector<1x16xf32> to vector<16xf32>
    %gt3A_162 = arith.cmpf ogt, %get3A_161, %select_n3A_153 : vector<16xf32>
    %select_n3A_163 = arith.select %gt3A_162, %get3A_161, %select_n3A_153 : vector<16xi1>, vector<16xf32>
    %jit3A_164 = arith.constant 1.300000e+01 : f32
    %broadcast_in_dim3A_165 = vector.broadcast %jit3A_164 : f32 to vector<16xf32>
    %select_n3A_166 = arith.select %gt3A_162, %broadcast_in_dim3A_165, %select_n3A_156 : vector<16xi1>, vector<16xf32>
    %get3A_167 = arith.constant 14 : i32
    %get3A_168 = arith.index_cast %get3A_167 : i32 to index
    %get3A_169 = arith.index_cast %mul3A_32 : i32 to index
    %get3A_170 = tpu.vector_load %arg4[%get3A_168, %get3A_169] {strides = array<i32>} : memref<128x64xf32, #tpu.memory_space<vmem>>, vector<1x16xf32>,
    %get3A_171 = vector.shape_cast %get3A_170 : vector<1x16xf32> to vector<16xf32>
    %gt3A_172 = arith.cmpf ogt, %get3A_171, %select_n3A_163 : vector<16xf32>
    %select_n3A_173 = arith.select %gt3A_172, %get3A_171, %select_n3A_163 : vector<16xi1>, vector<16xf32>
    %jit3A_174 = arith.constant 1.400000e+01 : f32
    %broadcast_in_dim3A_175 = vector.broadcast %jit3A_174 : f32 to vector<16xf32>
    %select_n3A_176 = arith.select %gt3A_172, %broadcast_in_dim3A_175, %select_n3A_166 : vector<16xi1>, vector<16xf32>
    %get3A_177 = arith.constant 15 : i32
    %get3A_178 = arith.index_cast %get3A_177 : i32 to index
    %get3A_179 = arith.index_cast %mul3A_32 : i32 to index
    %get3A_180 = tpu.vector_load %arg4[%get3A_178, %get3A_179] {strides = array<i32>} : memref<128x64xf32, #tpu.memory_space<vmem>>, vector<1x16xf32>,
    %get3A_181 = vector.shape_cast %get3A_180 : vector<1x16xf32> to vector<16xf32>
    %gt3A_182 = arith.cmpf ogt, %get3A_181, %select_n3A_173 : vector<16xf32>
    %select_n3A_183 = arith.select %gt3A_182, %get3A_181, %select_n3A_173 : vector<16xi1>, vector<16xf32>
    %jit3A_184 = arith.constant 1.500000e+01 : f32
    %broadcast_in_dim3A_185 = vector.broadcast %jit3A_184 : f32 to vector<16xf32>
    %select_n3A_186 = arith.select %gt3A_182, %broadcast_in_dim3A_185, %select_n3A_176 : vector<16xi1>, vector<16xf32>
    %get3A_187 = arith.constant 16 : i32
    %get3A_188 = arith.index_cast %get3A_187 : i32 to index
    %get3A_189 = arith.index_cast %mul3A_32 : i32 to index
    %get3A_190 = tpu.vector_load %arg4[%get3A_188, %get3A_189] {strides = array<i32>} : memref<128x64xf32, #tpu.memory_space<vmem>>, vector<1x16xf32>,
    %get3A_191 = vector.shape_cast %get3A_190 : vector<1x16xf32> to vector<16xf32>
    %gt3A_192 = arith.cmpf ogt, %get3A_191, %select_n3A_183 : vector<16xf32>
    %select_n3A_193 = arith.select %gt3A_192, %get3A_191, %select_n3A_183 : vector<16xi1>, vector<16xf32>
    %jit3A_194 = arith.constant 1.600000e+01 : f32
    %broadcast_in_dim3A_195 = vector.broadcast %jit3A_194 : f32 to vector<16xf32>
    %select_n3A_196 = arith.select %gt3A_192, %broadcast_in_dim3A_195, %select_n3A_186 : vector<16xi1>, vector<16xf32>
    %get3A_197 = arith.constant 17 : i32
    %get3A_198 = arith.index_cast %get3A_197 : i32 to index
    %get3A_199 = arith.index_cast %mul3A_32 : i32 to index
    %get3A_200 = tpu.vector_load %arg4[%get3A_198, %get3A_199] {strides = array<i32>} : memref<128x64xf32, #tpu.memory_space<vmem>>, vector<1x16xf32>,
    %get3A_201 = vector.shape_cast %get3A_200 : vector<1x16xf32> to vector<16xf32>
    %gt3A_202 = arith.cmpf ogt, %get3A_201, %select_n3A_193 : vector<16xf32>
    %select_n3A_203 = arith.select %gt3A_202, %get3A_201, %select_n3A_193 : vector<16xi1>, vector<16xf32>
    %jit3A_204 = arith.constant 1.700000e+01 : f32
    %broadcast_in_dim3A_205 = vector.broadcast %jit3A_204 : f32 to vector<16xf32>
    %select_n3A_206 = arith.select %gt3A_202, %broadcast_in_dim3A_205, %select_n3A_196 : vector<16xi1>, vector<16xf32>
    %get3A_207 = arith.constant 18 : i32
    %get3A_208 = arith.index_cast %get3A_207 : i32 to index
    %get3A_209 = arith.index_cast %mul3A_32 : i32 to index
    %get3A_210 = tpu.vector_load %arg4[%get3A_208, %get3A_209] {strides = array<i32>} : memref<128x64xf32, #tpu.memory_space<vmem>>, vector<1x16xf32>,
    %get3A_211 = vector.shape_cast %get3A_210 : vector<1x16xf32> to vector<16xf32>
    %gt3A_212 = arith.cmpf ogt, %get3A_211, %select_n3A_203 : vector<16xf32>
    %select_n3A_213 = arith.select %gt3A_212, %get3A_211, %select_n3A_203 : vector<16xi1>, vector<16xf32>
    %jit3A_214 = arith.constant 1.800000e+01 : f32
    %broadcast_in_dim3A_215 = vector.broadcast %jit3A_214 : f32 to vector<16xf32>
    %select_n3A_216 = arith.select %gt3A_212, %broadcast_in_dim3A_215, %select_n3A_206 : vector<16xi1>, vector<16xf32>
    %get3A_217 = arith.constant 19 : i32
    %get3A_218 = arith.index_cast %get3A_217 : i32 to index
    %get3A_219 = arith.index_cast %mul3A_32 : i32 to index
    %get3A_220 = tpu.vector_load %arg4[%get3A_218, %get3A_219] {strides = array<i32>} : memref<128x64xf32, #tpu.memory_space<vmem>>, vector<1x16xf32>,
    %get3A_221 = vector.shape_cast %get3A_220 : vector<1x16xf32> to vector<16xf32>
    %gt3A_222 = arith.cmpf ogt, %get3A_221, %select_n3A_213 : vector<16xf32>
    %select_n3A_223 = arith.select %gt3A_222, %get3A_221, %select_n3A_213 : vector<16xi1>, vector<16xf32>
    %jit3A_224 = arith.constant 1.900000e+01 : f32
    %broadcast_in_dim3A_225 = vector.broadcast %jit3A_224 : f32 to vector<16xf32>
    %select_n3A_226 = arith.select %gt3A_222, %broadcast_in_dim3A_225, %select_n3A_216 : vector<16xi1>, vector<16xf32>
    %get3A_227 = arith.constant 20 : i32
    %get3A_228 = arith.index_cast %get3A_227 : i32 to index
    %get3A_229 = arith.index_cast %mul3A_32 : i32 to index
    %get3A_230 = tpu.vector_load %arg4[%get3A_228, %get3A_229] {strides = array<i32>} : memref<128x64xf32, #tpu.memory_space<vmem>>, vector<1x16xf32>,
    %get3A_231 = vector.shape_cast %get3A_230 : vector<1x16xf32> to vector<16xf32>
    %gt3A_232 = arith.cmpf ogt, %get3A_231, %select_n3A_223 : vector<16xf32>
    %select_n3A_233 = arith.select %gt3A_232, %get3A_231, %select_n3A_223 : vector<16xi1>, vector<16xf32>
    %jit3A_234 = arith.constant 2.000000e+01 : f32
    %broadcast_in_dim3A_235 = vector.broadcast %jit3A_234 : f32 to vector<16xf32>
    %select_n3A_236 = arith.select %gt3A_232, %broadcast_in_dim3A_235, %select_n3A_226 : vector<16xi1>, vector<16xf32>
    %get3A_237 = arith.constant 21 : i32
    %get3A_238 = arith.index_cast %get3A_237 : i32 to index
    %get3A_239 = arith.index_cast %mul3A_32 : i32 to index
    %get3A_240 = tpu.vector_load %arg4[%get3A_238, %get3A_239] {strides = array<i32>} : memref<128x64xf32, #tpu.memory_space<vmem>>, vector<1x16xf32>,
    %get3A_241 = vector.shape_cast %get3A_240 : vector<1x16xf32> to vector<16xf32>
    %gt3A_242 = arith.cmpf ogt, %get3A_241, %select_n3A_233 : vector<16xf32>
    %select_n3A_243 = arith.select %gt3A_242, %get3A_241, %select_n3A_233 : vector<16xi1>, vector<16xf32>
    %jit3A_244 = arith.constant 2.100000e+01 : f32
    %broadcast_in_dim3A_245 = vector.broadcast %jit3A_244 : f32 to vector<16xf32>
    %select_n3A_246 = arith.select %gt3A_242, %broadcast_in_dim3A_245, %select_n3A_236 : vector<16xi1>, vector<16xf32>
    %get3A_247 = arith.constant 22 : i32
    %get3A_248 = arith.index_cast %get3A_247 : i32 to index
    %get3A_249 = arith.index_cast %mul3A_32 : i32 to index
    %get3A_250 = tpu.vector_load %arg4[%get3A_248, %get3A_249] {strides = array<i32>} : memref<128x64xf32, #tpu.memory_space<vmem>>, vector<1x16xf32>,
    %get3A_251 = vector.shape_cast %get3A_250 : vector<1x16xf32> to vector<16xf32>
    %gt3A_252 = arith.cmpf ogt, %get3A_251, %select_n3A_243 : vector<16xf32>
    %select_n3A_253 = arith.select %gt3A_252, %get3A_251, %select_n3A_243 : vector<16xi1>, vector<16xf32>
    %jit3A_254 = arith.constant 2.200000e+01 : f32
    %broadcast_in_dim3A_255 = vector.broadcast %jit3A_254 : f32 to vector<16xf32>
    %select_n3A_256 = arith.select %gt3A_252, %broadcast_in_dim3A_255, %select_n3A_246 : vector<16xi1>, vector<16xf32>
    %get3A_257 = arith.constant 23 : i32
    %get3A_258 = arith.index_cast %get3A_257 : i32 to index
    %get3A_259 = arith.index_cast %mul3A_32 : i32 to index
    %get3A_260 = tpu.vector_load %arg4[%get3A_258, %get3A_259] {strides = array<i32>} : memref<128x64xf32, #tpu.memory_space<vmem>>, vector<1x16xf32>,
    %get3A_261 = vector.shape_cast %get3A_260 : vector<1x16xf32> to vector<16xf32>
    %gt3A_262 = arith.cmpf ogt, %get3A_261, %select_n3A_253 : vector<16xf32>
    %select_n3A_263 = arith.select %gt3A_262, %get3A_261, %select_n3A_253 : vector<16xi1>, vector<16xf32>
    %jit3A_264 = arith.constant 2.300000e+01 : f32
    %broadcast_in_dim3A_265 = vector.broadcast %jit3A_264 : f32 to vector<16xf32>
    %select_n3A_266 = arith.select %gt3A_262, %broadcast_in_dim3A_265, %select_n3A_256 : vector<16xi1>, vector<16xf32>
    %get3A_267 = arith.constant 24 : i32
    %get3A_268 = arith.index_cast %get3A_267 : i32 to index
    %get3A_269 = arith.index_cast %mul3A_32 : i32 to index
    %get3A_270 = tpu.vector_load %arg4[%get3A_268, %get3A_269] {strides = array<i32>} : memref<128x64xf32, #tpu.memory_space<vmem>>, vector<1x16xf32>,
    %get3A_271 = vector.shape_cast %get3A_270 : vector<1x16xf32> to vector<16xf32>
    %gt3A_272 = arith.cmpf ogt, %get3A_271, %select_n3A_263 : vector<16xf32>
    %select_n3A_273 = arith.select %gt3A_272, %get3A_271, %select_n3A_263 : vector<16xi1>, vector<16xf32>
    %jit3A_274 = arith.constant 2.400000e+01 : f32
    %broadcast_in_dim3A_275 = vector.broadcast %jit3A_274 : f32 to vector<16xf32>
    %select_n3A_276 = arith.select %gt3A_272, %broadcast_in_dim3A_275, %select_n3A_266 : vector<16xi1>, vector<16xf32>
    %get3A_277 = arith.constant 25 : i32
    %get3A_278 = arith.index_cast %get3A_277 : i32 to index
    %get3A_279 = arith.index_cast %mul3A_32 : i32 to index
    %get3A_280 = tpu.vector_load %arg4[%get3A_278, %get3A_279] {strides = array<i32>} : memref<128x64xf32, #tpu.memory_space<vmem>>, vector<1x16xf32>,
    %get3A_281 = vector.shape_cast %get3A_280 : vector<1x16xf32> to vector<16xf32>
    %gt3A_282 = arith.cmpf ogt, %get3A_281, %select_n3A_273 : vector<16xf32>
    %select_n3A_283 = arith.select %gt3A_282, %get3A_281, %select_n3A_273 : vector<16xi1>, vector<16xf32>
    %jit3A_284 = arith.constant 2.500000e+01 : f32
    %broadcast_in_dim3A_285 = vector.broadcast %jit3A_284 : f32 to vector<16xf32>
    %select_n3A_286 = arith.select %gt3A_282, %broadcast_in_dim3A_285, %select_n3A_276 : vector<16xi1>, vector<16xf32>
    %get3A_287 = arith.constant 26 : i32
    %get3A_288 = arith.index_cast %get3A_287 : i32 to index
    %get3A_289 = arith.index_cast %mul3A_32 : i32 to index
    %get3A_290 = tpu.vector_load %arg4[%get3A_288, %get3A_289] {strides = array<i32>} : memref<128x64xf32, #tpu.memory_space<vmem>>, vector<1x16xf32>,
    %get3A_291 = vector.shape_cast %get3A_290 : vector<1x16xf32> to vector<16xf32>
    %gt3A_292 = arith.cmpf ogt, %get3A_291, %select_n3A_283 : vector<16xf32>
    %select_n3A_293 = arith.select %gt3A_292, %get3A_291, %select_n3A_283 : vector<16xi1>, vector<16xf32>
    %jit3A_294 = arith.constant 2.600000e+01 : f32
    %broadcast_in_dim3A_295 = vector.broadcast %jit3A_294 : f32 to vector<16xf32>
    %select_n3A_296 = arith.select %gt3A_292, %broadcast_in_dim3A_295, %select_n3A_286 : vector<16xi1>, vector<16xf32>
    %get3A_297 = arith.constant 27 : i32
    %get3A_298 = arith.index_cast %get3A_297 : i32 to index
    %get3A_299 = arith.index_cast %mul3A_32 : i32 to index
    %get3A_300 = tpu.vector_load %arg4[%get3A_298, %get3A_299] {strides = array<i32>} : memref<128x64xf32, #tpu.memory_space<vmem>>, vector<1x16xf32>,
    %get3A_301 = vector.shape_cast %get3A_300 : vector<1x16xf32> to vector<16xf32>
    %gt3A_302 = arith.cmpf ogt, %get3A_301, %select_n3A_293 : vector<16xf32>
    %select_n3A_303 = arith.select %gt3A_302, %get3A_301, %select_n3A_293 : vector<16xi1>, vector<16xf32>
    %jit3A_304 = arith.constant 2.700000e+01 : f32
    %broadcast_in_dim3A_305 = vector.broadcast %jit3A_304 : f32 to vector<16xf32>
    %select_n3A_306 = arith.select %gt3A_302, %broadcast_in_dim3A_305, %select_n3A_296 : vector<16xi1>, vector<16xf32>
    %get3A_307 = arith.constant 28 : i32
    %get3A_308 = arith.index_cast %get3A_307 : i32 to index
    %get3A_309 = arith.index_cast %mul3A_32 : i32 to index
    %get3A_310 = tpu.vector_load %arg4[%get3A_308, %get3A_309] {strides = array<i32>} : memref<128x64xf32, #tpu.memory_space<vmem>>, vector<1x16xf32>,
    %get3A_311 = vector.shape_cast %get3A_310 : vector<1x16xf32> to vector<16xf32>
    %gt3A_312 = arith.cmpf ogt, %get3A_311, %select_n3A_303 : vector<16xf32>
    %select_n3A_313 = arith.select %gt3A_312, %get3A_311, %select_n3A_303 : vector<16xi1>, vector<16xf32>
    %jit3A_314 = arith.constant 2.800000e+01 : f32
    %broadcast_in_dim3A_315 = vector.broadcast %jit3A_314 : f32 to vector<16xf32>
    %select_n3A_316 = arith.select %gt3A_312, %broadcast_in_dim3A_315, %select_n3A_306 : vector<16xi1>, vector<16xf32>
    %get3A_317 = arith.constant 29 : i32
    %get3A_318 = arith.index_cast %get3A_317 : i32 to index
    %get3A_319 = arith.index_cast %mul3A_32 : i32 to index
    %get3A_320 = tpu.vector_load %arg4[%get3A_318, %get3A_319] {strides = array<i32>} : memref<128x64xf32, #tpu.memory_space<vmem>>, vector<1x16xf32>,
    %get3A_321 = vector.shape_cast %get3A_320 : vector<1x16xf32> to vector<16xf32>
    %gt3A_322 = arith.cmpf ogt, %get3A_321, %select_n3A_313 : vector<16xf32>
    %select_n3A_323 = arith.select %gt3A_322, %get3A_321, %select_n3A_313 : vector<16xi1>, vector<16xf32>
    %jit3A_324 = arith.constant 2.900000e+01 : f32
    %broadcast_in_dim3A_325 = vector.broadcast %jit3A_324 : f32 to vector<16xf32>
    %select_n3A_326 = arith.select %gt3A_322, %broadcast_in_dim3A_325, %select_n3A_316 : vector<16xi1>, vector<16xf32>
    %get3A_327 = arith.constant 30 : i32
    %get3A_328 = arith.index_cast %get3A_327 : i32 to index
    %get3A_329 = arith.index_cast %mul3A_32 : i32 to index
    %get3A_330 = tpu.vector_load %arg4[%get3A_328, %get3A_329] {strides = array<i32>} : memref<128x64xf32, #tpu.memory_space<vmem>>, vector<1x16xf32>,
    %get3A_331 = vector.shape_cast %get3A_330 : vector<1x16xf32> to vector<16xf32>
    %gt3A_332 = arith.cmpf ogt, %get3A_331, %select_n3A_323 : vector<16xf32>
    %select_n3A_333 = arith.select %gt3A_332, %get3A_331, %select_n3A_323 : vector<16xi1>, vector<16xf32>
    %jit3A_334 = arith.constant 3.000000e+01 : f32
    %broadcast_in_dim3A_335 = vector.broadcast %jit3A_334 : f32 to vector<16xf32>
    %select_n3A_336 = arith.select %gt3A_332, %broadcast_in_dim3A_335, %select_n3A_326 : vector<16xi1>, vector<16xf32>
    %get3A_337 = arith.constant 31 : i32
    %get3A_338 = arith.index_cast %get3A_337 : i32 to index
    %get3A_339 = arith.index_cast %mul3A_32 : i32 to index
    %get3A_340 = tpu.vector_load %arg4[%get3A_338, %get3A_339] {strides = array<i32>} : memref<128x64xf32, #tpu.memory_space<vmem>>, vector<1x16xf32>,
    %get3A_341 = vector.shape_cast %get3A_340 : vector<1x16xf32> to vector<16xf32>
    %gt3A_342 = arith.cmpf ogt, %get3A_341, %select_n3A_333 : vector<16xf32>
    %select_n3A_343 = arith.select %gt3A_342, %get3A_341, %select_n3A_333 : vector<16xi1>, vector<16xf32>
    %jit3A_344 = arith.constant 3.100000e+01 : f32
    %broadcast_in_dim3A_345 = vector.broadcast %jit3A_344 : f32 to vector<16xf32>
    %select_n3A_346 = arith.select %gt3A_342, %broadcast_in_dim3A_345, %select_n3A_336 : vector<16xi1>, vector<16xf32>
    %get3A_347 = arith.constant 32 : i32
    %get3A_348 = arith.index_cast %get3A_347 : i32 to index
    %get3A_349 = arith.index_cast %mul3A_32 : i32 to index
    %get3A_350 = tpu.vector_load %arg4[%get3A_348, %get3A_349] {strides = array<i32>} : memref<128x64xf32, #tpu.memory_space<vmem>>, vector<1x16xf32>,
    %get3A_351 = vector.shape_cast %get3A_350 : vector<1x16xf32> to vector<16xf32>
    %broadcast_in_dim3A_352 = arith.constant 3.200000e+01 : f32
    %broadcast_in_dim3A_353 = vector.broadcast %broadcast_in_dim3A_352 : f32 to vector<16xf32>
    %get3A_354 = arith.constant 33 : i32
    %get3A_355 = arith.index_cast %get3A_354 : i32 to index
    %get3A_356 = arith.index_cast %mul3A_32 : i32 to index
    %get3A_357 = tpu.vector_load %arg4[%get3A_355, %get3A_356] {strides = array<i32>} : memref<128x64xf32, #tpu.memory_space<vmem>>, vector<1x16xf32>,
    %get3A_358 = vector.shape_cast %get3A_357 : vector<1x16xf32> to vector<16xf32>
    %gt3A_359 = arith.cmpf ogt, %get3A_358, %get3A_351 : vector<16xf32>
    %select_n3A_360 = arith.select %gt3A_359, %get3A_358, %get3A_351 : vector<16xi1>, vector<16xf32>
    %jit3A_361 = arith.constant 3.300000e+01 : f32
    %broadcast_in_dim3A_362 = vector.broadcast %jit3A_361 : f32 to vector<16xf32>
    %select_n3A_363 = arith.select %gt3A_359, %broadcast_in_dim3A_362, %broadcast_in_dim3A_353 : vector<16xi1>, vector<16xf32>
    %get3A_364 = arith.constant 34 : i32
    %get3A_365 = arith.index_cast %get3A_364 : i32 to index
    %get3A_366 = arith.index_cast %mul3A_32 : i32 to index
    %get3A_367 = tpu.vector_load %arg4[%get3A_365, %get3A_366] {strides = array<i32>} : memref<128x64xf32, #tpu.memory_space<vmem>>, vector<1x16xf32>,
    %get3A_368 = vector.shape_cast %get3A_367 : vector<1x16xf32> to vector<16xf32>
    %gt3A_369 = arith.cmpf ogt, %get3A_368, %select_n3A_360 : vector<16xf32>
    %select_n3A_370 = arith.select %gt3A_369, %get3A_368, %select_n3A_360 : vector<16xi1>, vector<16xf32>
    %jit3A_371 = arith.constant 3.400000e+01 : f32
    %broadcast_in_dim3A_372 = vector.broadcast %jit3A_371 : f32 to vector<16xf32>
    %select_n3A_373 = arith.select %gt3A_369, %broadcast_in_dim3A_372, %select_n3A_363 : vector<16xi1>, vector<16xf32>
    %get3A_374 = arith.constant 35 : i32
    %get3A_375 = arith.index_cast %get3A_374 : i32 to index
    %get3A_376 = arith.index_cast %mul3A_32 : i32 to index
    %get3A_377 = tpu.vector_load %arg4[%get3A_375, %get3A_376] {strides = array<i32>} : memref<128x64xf32, #tpu.memory_space<vmem>>, vector<1x16xf32>,
    %get3A_378 = vector.shape_cast %get3A_377 : vector<1x16xf32> to vector<16xf32>
    %gt3A_379 = arith.cmpf ogt, %get3A_378, %select_n3A_370 : vector<16xf32>
    %select_n3A_380 = arith.select %gt3A_379, %get3A_378, %select_n3A_370 : vector<16xi1>, vector<16xf32>
    %jit3A_381 = arith.constant 3.500000e+01 : f32
    %broadcast_in_dim3A_382 = vector.broadcast %jit3A_381 : f32 to vector<16xf32>
    %select_n3A_383 = arith.select %gt3A_379, %broadcast_in_dim3A_382, %select_n3A_373 : vector<16xi1>, vector<16xf32>
    %get3A_384 = arith.constant 36 : i32
    %get3A_385 = arith.index_cast %get3A_384 : i32 to index
    %get3A_386 = arith.index_cast %mul3A_32 : i32 to index
    %get3A_387 = tpu.vector_load %arg4[%get3A_385, %get3A_386] {strides = array<i32>} : memref<128x64xf32, #tpu.memory_space<vmem>>, vector<1x16xf32>,
    %get3A_388 = vector.shape_cast %get3A_387 : vector<1x16xf32> to vector<16xf32>
    %gt3A_389 = arith.cmpf ogt, %get3A_388, %select_n3A_380 : vector<16xf32>
    %select_n3A_390 = arith.select %gt3A_389, %get3A_388, %select_n3A_380 : vector<16xi1>, vector<16xf32>
    %jit3A_391 = arith.constant 3.600000e+01 : f32
    %broadcast_in_dim3A_392 = vector.broadcast %jit3A_391 : f32 to vector<16xf32>
    %select_n3A_393 = arith.select %gt3A_389, %broadcast_in_dim3A_392, %select_n3A_383 : vector<16xi1>, vector<16xf32>
    %get3A_394 = arith.constant 37 : i32
    %get3A_395 = arith.index_cast %get3A_394 : i32 to index
    %get3A_396 = arith.index_cast %mul3A_32 : i32 to index
    %get3A_397 = tpu.vector_load %arg4[%get3A_395, %get3A_396] {strides = array<i32>} : memref<128x64xf32, #tpu.memory_space<vmem>>, vector<1x16xf32>,
    %get3A_398 = vector.shape_cast %get3A_397 : vector<1x16xf32> to vector<16xf32>
    %gt3A_399 = arith.cmpf ogt, %get3A_398, %select_n3A_390 : vector<16xf32>
    %select_n3A_400 = arith.select %gt3A_399, %get3A_398, %select_n3A_390 : vector<16xi1>, vector<16xf32>
    %jit3A_401 = arith.constant 3.700000e+01 : f32
    %broadcast_in_dim3A_402 = vector.broadcast %jit3A_401 : f32 to vector<16xf32>
    %select_n3A_403 = arith.select %gt3A_399, %broadcast_in_dim3A_402, %select_n3A_393 : vector<16xi1>, vector<16xf32>
    %get3A_404 = arith.constant 38 : i32
    %get3A_405 = arith.index_cast %get3A_404 : i32 to index
    %get3A_406 = arith.index_cast %mul3A_32 : i32 to index
    %get3A_407 = tpu.vector_load %arg4[%get3A_405, %get3A_406] {strides = array<i32>} : memref<128x64xf32, #tpu.memory_space<vmem>>, vector<1x16xf32>,
    %get3A_408 = vector.shape_cast %get3A_407 : vector<1x16xf32> to vector<16xf32>
    %gt3A_409 = arith.cmpf ogt, %get3A_408, %select_n3A_400 : vector<16xf32>
    %select_n3A_410 = arith.select %gt3A_409, %get3A_408, %select_n3A_400 : vector<16xi1>, vector<16xf32>
    %jit3A_411 = arith.constant 3.800000e+01 : f32
    %broadcast_in_dim3A_412 = vector.broadcast %jit3A_411 : f32 to vector<16xf32>
    %select_n3A_413 = arith.select %gt3A_409, %broadcast_in_dim3A_412, %select_n3A_403 : vector<16xi1>, vector<16xf32>
    %get3A_414 = arith.constant 39 : i32
    %get3A_415 = arith.index_cast %get3A_414 : i32 to index
    %get3A_416 = arith.index_cast %mul3A_32 : i32 to index
    %get3A_417 = tpu.vector_load %arg4[%get3A_415, %get3A_416] {strides = array<i32>} : memref<128x64xf32, #tpu.memory_space<vmem>>, vector<1x16xf32>,
    %get3A_418 = vector.shape_cast %get3A_417 : vector<1x16xf32> to vector<16xf32>
    %gt3A_419 = arith.cmpf ogt, %get3A_418, %select_n3A_410 : vector<16xf32>
    %select_n3A_420 = arith.select %gt3A_419, %get3A_418, %select_n3A_410 : vector<16xi1>, vector<16xf32>
    %jit3A_421 = arith.constant 3.900000e+01 : f32
    %broadcast_in_dim3A_422 = vector.broadcast %jit3A_421 : f32 to vector<16xf32>
    %select_n3A_423 = arith.select %gt3A_419, %broadcast_in_dim3A_422, %select_n3A_413 : vector<16xi1>, vector<16xf32>
    %get3A_424 = arith.constant 40 : i32
    %get3A_425 = arith.index_cast %get3A_424 : i32 to index
    %get3A_426 = arith.index_cast %mul3A_32 : i32 to index
    %get3A_427 = tpu.vector_load %arg4[%get3A_425, %get3A_426] {strides = array<i32>} : memref<128x64xf32, #tpu.memory_space<vmem>>, vector<1x16xf32>,
    %get3A_428 = vector.shape_cast %get3A_427 : vector<1x16xf32> to vector<16xf32>
    %gt3A_429 = arith.cmpf ogt, %get3A_428, %select_n3A_420 : vector<16xf32>
    %select_n3A_430 = arith.select %gt3A_429, %get3A_428, %select_n3A_420 : vector<16xi1>, vector<16xf32>
    %jit3A_431 = arith.constant 4.000000e+01 : f32
    %broadcast_in_dim3A_432 = vector.broadcast %jit3A_431 : f32 to vector<16xf32>
    %select_n3A_433 = arith.select %gt3A_429, %broadcast_in_dim3A_432, %select_n3A_423 : vector<16xi1>, vector<16xf32>
    %get3A_434 = arith.constant 41 : i32
    %get3A_435 = arith.index_cast %get3A_434 : i32 to index
    %get3A_436 = arith.index_cast %mul3A_32 : i32 to index
    %get3A_437 = tpu.vector_load %arg4[%get3A_435, %get3A_436] {strides = array<i32>} : memref<128x64xf32, #tpu.memory_space<vmem>>, vector<1x16xf32>,
    %get3A_438 = vector.shape_cast %get3A_437 : vector<1x16xf32> to vector<16xf32>
    %gt3A_439 = arith.cmpf ogt, %get3A_438, %select_n3A_430 : vector<16xf32>
    %select_n3A_440 = arith.select %gt3A_439, %get3A_438, %select_n3A_430 : vector<16xi1>, vector<16xf32>
    %jit3A_441 = arith.constant 4.100000e+01 : f32
    %broadcast_in_dim3A_442 = vector.broadcast %jit3A_441 : f32 to vector<16xf32>
    %select_n3A_443 = arith.select %gt3A_439, %broadcast_in_dim3A_442, %select_n3A_433 : vector<16xi1>, vector<16xf32>
    %get3A_444 = arith.constant 42 : i32
    %get3A_445 = arith.index_cast %get3A_444 : i32 to index
    %get3A_446 = arith.index_cast %mul3A_32 : i32 to index
    %get3A_447 = tpu.vector_load %arg4[%get3A_445, %get3A_446] {strides = array<i32>} : memref<128x64xf32, #tpu.memory_space<vmem>>, vector<1x16xf32>,
    %get3A_448 = vector.shape_cast %get3A_447 : vector<1x16xf32> to vector<16xf32>
    %gt3A_449 = arith.cmpf ogt, %get3A_448, %select_n3A_440 : vector<16xf32>
    %select_n3A_450 = arith.select %gt3A_449, %get3A_448, %select_n3A_440 : vector<16xi1>, vector<16xf32>
    %jit3A_451 = arith.constant 4.200000e+01 : f32
    %broadcast_in_dim3A_452 = vector.broadcast %jit3A_451 : f32 to vector<16xf32>
    %select_n3A_453 = arith.select %gt3A_449, %broadcast_in_dim3A_452, %select_n3A_443 : vector<16xi1>, vector<16xf32>
    %get3A_454 = arith.constant 43 : i32
    %get3A_455 = arith.index_cast %get3A_454 : i32 to index
    %get3A_456 = arith.index_cast %mul3A_32 : i32 to index
    %get3A_457 = tpu.vector_load %arg4[%get3A_455, %get3A_456] {strides = array<i32>} : memref<128x64xf32, #tpu.memory_space<vmem>>, vector<1x16xf32>,
    %get3A_458 = vector.shape_cast %get3A_457 : vector<1x16xf32> to vector<16xf32>
    %gt3A_459 = arith.cmpf ogt, %get3A_458, %select_n3A_450 : vector<16xf32>
    %select_n3A_460 = arith.select %gt3A_459, %get3A_458, %select_n3A_450 : vector<16xi1>, vector<16xf32>
    %jit3A_461 = arith.constant 4.300000e+01 : f32
    %broadcast_in_dim3A_462 = vector.broadcast %jit3A_461 : f32 to vector<16xf32>
    %select_n3A_463 = arith.select %gt3A_459, %broadcast_in_dim3A_462, %select_n3A_453 : vector<16xi1>, vector<16xf32>
    %get3A_464 = arith.constant 44 : i32
    %get3A_465 = arith.index_cast %get3A_464 : i32 to index
    %get3A_466 = arith.index_cast %mul3A_32 : i32 to index
    %get3A_467 = tpu.vector_load %arg4[%get3A_465, %get3A_466] {strides = array<i32>} : memref<128x64xf32, #tpu.memory_space<vmem>>, vector<1x16xf32>,
    %get3A_468 = vector.shape_cast %get3A_467 : vector<1x16xf32> to vector<16xf32>
    %gt3A_469 = arith.cmpf ogt, %get3A_468, %select_n3A_460 : vector<16xf32>
    %select_n3A_470 = arith.select %gt3A_469, %get3A_468, %select_n3A_460 : vector<16xi1>, vector<16xf32>
    %jit3A_471 = arith.constant 4.400000e+01 : f32
    %broadcast_in_dim3A_472 = vector.broadcast %jit3A_471 : f32 to vector<16xf32>
    %select_n3A_473 = arith.select %gt3A_469, %broadcast_in_dim3A_472, %select_n3A_463 : vector<16xi1>, vector<16xf32>
    %get3A_474 = arith.constant 45 : i32
    %get3A_475 = arith.index_cast %get3A_474 : i32 to index
    %get3A_476 = arith.index_cast %mul3A_32 : i32 to index
    %get3A_477 = tpu.vector_load %arg4[%get3A_475, %get3A_476] {strides = array<i32>} : memref<128x64xf32, #tpu.memory_space<vmem>>, vector<1x16xf32>,
    %get3A_478 = vector.shape_cast %get3A_477 : vector<1x16xf32> to vector<16xf32>
    %gt3A_479 = arith.cmpf ogt, %get3A_478, %select_n3A_470 : vector<16xf32>
    %select_n3A_480 = arith.select %gt3A_479, %get3A_478, %select_n3A_470 : vector<16xi1>, vector<16xf32>
    %jit3A_481 = arith.constant 4.500000e+01 : f32
    %broadcast_in_dim3A_482 = vector.broadcast %jit3A_481 : f32 to vector<16xf32>
    %select_n3A_483 = arith.select %gt3A_479, %broadcast_in_dim3A_482, %select_n3A_473 : vector<16xi1>, vector<16xf32>
    %get3A_484 = arith.constant 46 : i32
    %get3A_485 = arith.index_cast %get3A_484 : i32 to index
    %get3A_486 = arith.index_cast %mul3A_32 : i32 to index
    %get3A_487 = tpu.vector_load %arg4[%get3A_485, %get3A_486] {strides = array<i32>} : memref<128x64xf32, #tpu.memory_space<vmem>>, vector<1x16xf32>,
    %get3A_488 = vector.shape_cast %get3A_487 : vector<1x16xf32> to vector<16xf32>
    %gt3A_489 = arith.cmpf ogt, %get3A_488, %select_n3A_480 : vector<16xf32>
    %select_n3A_490 = arith.select %gt3A_489, %get3A_488, %select_n3A_480 : vector<16xi1>, vector<16xf32>
    %jit3A_491 = arith.constant 4.600000e+01 : f32
    %broadcast_in_dim3A_492 = vector.broadcast %jit3A_491 : f32 to vector<16xf32>
    %select_n3A_493 = arith.select %gt3A_489, %broadcast_in_dim3A_492, %select_n3A_483 : vector<16xi1>, vector<16xf32>
    %get3A_494 = arith.constant 47 : i32
    %get3A_495 = arith.index_cast %get3A_494 : i32 to index
    %get3A_496 = arith.index_cast %mul3A_32 : i32 to index
    %get3A_497 = tpu.vector_load %arg4[%get3A_495, %get3A_496] {strides = array<i32>} : memref<128x64xf32, #tpu.memory_space<vmem>>, vector<1x16xf32>,
    %get3A_498 = vector.shape_cast %get3A_497 : vector<1x16xf32> to vector<16xf32>
    %gt3A_499 = arith.cmpf ogt, %get3A_498, %select_n3A_490 : vector<16xf32>
    %select_n3A_500 = arith.select %gt3A_499, %get3A_498, %select_n3A_490 : vector<16xi1>, vector<16xf32>
    %jit3A_501 = arith.constant 4.700000e+01 : f32
    %broadcast_in_dim3A_502 = vector.broadcast %jit3A_501 : f32 to vector<16xf32>
    %select_n3A_503 = arith.select %gt3A_499, %broadcast_in_dim3A_502, %select_n3A_493 : vector<16xi1>, vector<16xf32>
    %get3A_504 = arith.constant 48 : i32
    %get3A_505 = arith.index_cast %get3A_504 : i32 to index
    %get3A_506 = arith.index_cast %mul3A_32 : i32 to index
    %get3A_507 = tpu.vector_load %arg4[%get3A_505, %get3A_506] {strides = array<i32>} : memref<128x64xf32, #tpu.memory_space<vmem>>, vector<1x16xf32>,
    %get3A_508 = vector.shape_cast %get3A_507 : vector<1x16xf32> to vector<16xf32>
    %gt3A_509 = arith.cmpf ogt, %get3A_508, %select_n3A_500 : vector<16xf32>
    %select_n3A_510 = arith.select %gt3A_509, %get3A_508, %select_n3A_500 : vector<16xi1>, vector<16xf32>
    %jit3A_511 = arith.constant 4.800000e+01 : f32
    %broadcast_in_dim3A_512 = vector.broadcast %jit3A_511 : f32 to vector<16xf32>
    %select_n3A_513 = arith.select %gt3A_509, %broadcast_in_dim3A_512, %select_n3A_503 : vector<16xi1>, vector<16xf32>
    %get3A_514 = arith.constant 49 : i32
    %get3A_515 = arith.index_cast %get3A_514 : i32 to index
    %get3A_516 = arith.index_cast %mul3A_32 : i32 to index
    %get3A_517 = tpu.vector_load %arg4[%get3A_515, %get3A_516] {strides = array<i32>} : memref<128x64xf32, #tpu.memory_space<vmem>>, vector<1x16xf32>,
    %get3A_518 = vector.shape_cast %get3A_517 : vector<1x16xf32> to vector<16xf32>
    %gt3A_519 = arith.cmpf ogt, %get3A_518, %select_n3A_510 : vector<16xf32>
    %select_n3A_520 = arith.select %gt3A_519, %get3A_518, %select_n3A_510 : vector<16xi1>, vector<16xf32>
    %jit3A_521 = arith.constant 4.900000e+01 : f32
    %broadcast_in_dim3A_522 = vector.broadcast %jit3A_521 : f32 to vector<16xf32>
    %select_n3A_523 = arith.select %gt3A_519, %broadcast_in_dim3A_522, %select_n3A_513 : vector<16xi1>, vector<16xf32>
    %get3A_524 = arith.constant 50 : i32
    %get3A_525 = arith.index_cast %get3A_524 : i32 to index
    %get3A_526 = arith.index_cast %mul3A_32 : i32 to index
    %get3A_527 = tpu.vector_load %arg4[%get3A_525, %get3A_526] {strides = array<i32>} : memref<128x64xf32, #tpu.memory_space<vmem>>, vector<1x16xf32>,
    %get3A_528 = vector.shape_cast %get3A_527 : vector<1x16xf32> to vector<16xf32>
    %gt3A_529 = arith.cmpf ogt, %get3A_528, %select_n3A_520 : vector<16xf32>
    %select_n3A_530 = arith.select %gt3A_529, %get3A_528, %select_n3A_520 : vector<16xi1>, vector<16xf32>
    %jit3A_531 = arith.constant 5.000000e+01 : f32
    %broadcast_in_dim3A_532 = vector.broadcast %jit3A_531 : f32 to vector<16xf32>
    %select_n3A_533 = arith.select %gt3A_529, %broadcast_in_dim3A_532, %select_n3A_523 : vector<16xi1>, vector<16xf32>
    %get3A_534 = arith.constant 51 : i32
    %get3A_535 = arith.index_cast %get3A_534 : i32 to index
    %get3A_536 = arith.index_cast %mul3A_32 : i32 to index
    %get3A_537 = tpu.vector_load %arg4[%get3A_535, %get3A_536] {strides = array<i32>} : memref<128x64xf32, #tpu.memory_space<vmem>>, vector<1x16xf32>,
    %get3A_538 = vector.shape_cast %get3A_537 : vector<1x16xf32> to vector<16xf32>
    %gt3A_539 = arith.cmpf ogt, %get3A_538, %select_n3A_530 : vector<16xf32>
    %select_n3A_540 = arith.select %gt3A_539, %get3A_538, %select_n3A_530 : vector<16xi1>, vector<16xf32>
    %jit3A_541 = arith.constant 5.100000e+01 : f32
    %broadcast_in_dim3A_542 = vector.broadcast %jit3A_541 : f32 to vector<16xf32>
    %select_n3A_543 = arith.select %gt3A_539, %broadcast_in_dim3A_542, %select_n3A_533 : vector<16xi1>, vector<16xf32>
    %get3A_544 = arith.constant 52 : i32
    %get3A_545 = arith.index_cast %get3A_544 : i32 to index
    %get3A_546 = arith.index_cast %mul3A_32 : i32 to index
    %get3A_547 = tpu.vector_load %arg4[%get3A_545, %get3A_546] {strides = array<i32>} : memref<128x64xf32, #tpu.memory_space<vmem>>, vector<1x16xf32>,
    %get3A_548 = vector.shape_cast %get3A_547 : vector<1x16xf32> to vector<16xf32>
    %gt3A_549 = arith.cmpf ogt, %get3A_548, %select_n3A_540 : vector<16xf32>
    %select_n3A_550 = arith.select %gt3A_549, %get3A_548, %select_n3A_540 : vector<16xi1>, vector<16xf32>
    %jit3A_551 = arith.constant 5.200000e+01 : f32
    %broadcast_in_dim3A_552 = vector.broadcast %jit3A_551 : f32 to vector<16xf32>
    %select_n3A_553 = arith.select %gt3A_549, %broadcast_in_dim3A_552, %select_n3A_543 : vector<16xi1>, vector<16xf32>
    %get3A_554 = arith.constant 53 : i32
    %get3A_555 = arith.index_cast %get3A_554 : i32 to index
    %get3A_556 = arith.index_cast %mul3A_32 : i32 to index
    %get3A_557 = tpu.vector_load %arg4[%get3A_555, %get3A_556] {strides = array<i32>} : memref<128x64xf32, #tpu.memory_space<vmem>>, vector<1x16xf32>,
    %get3A_558 = vector.shape_cast %get3A_557 : vector<1x16xf32> to vector<16xf32>
    %gt3A_559 = arith.cmpf ogt, %get3A_558, %select_n3A_550 : vector<16xf32>
    %select_n3A_560 = arith.select %gt3A_559, %get3A_558, %select_n3A_550 : vector<16xi1>, vector<16xf32>
    %jit3A_561 = arith.constant 5.300000e+01 : f32
    %broadcast_in_dim3A_562 = vector.broadcast %jit3A_561 : f32 to vector<16xf32>
    %select_n3A_563 = arith.select %gt3A_559, %broadcast_in_dim3A_562, %select_n3A_553 : vector<16xi1>, vector<16xf32>
    %get3A_564 = arith.constant 54 : i32
    %get3A_565 = arith.index_cast %get3A_564 : i32 to index
    %get3A_566 = arith.index_cast %mul3A_32 : i32 to index
    %get3A_567 = tpu.vector_load %arg4[%get3A_565, %get3A_566] {strides = array<i32>} : memref<128x64xf32, #tpu.memory_space<vmem>>, vector<1x16xf32>,
    %get3A_568 = vector.shape_cast %get3A_567 : vector<1x16xf32> to vector<16xf32>
    %gt3A_569 = arith.cmpf ogt, %get3A_568, %select_n3A_560 : vector<16xf32>
    %select_n3A_570 = arith.select %gt3A_569, %get3A_568, %select_n3A_560 : vector<16xi1>, vector<16xf32>
    %jit3A_571 = arith.constant 5.400000e+01 : f32
    %broadcast_in_dim3A_572 = vector.broadcast %jit3A_571 : f32 to vector<16xf32>
    %select_n3A_573 = arith.select %gt3A_569, %broadcast_in_dim3A_572, %select_n3A_563 : vector<16xi1>, vector<16xf32>
    %get3A_574 = arith.constant 55 : i32
    %get3A_575 = arith.index_cast %get3A_574 : i32 to index
    %get3A_576 = arith.index_cast %mul3A_32 : i32 to index
    %get3A_577 = tpu.vector_load %arg4[%get3A_575, %get3A_576] {strides = array<i32>} : memref<128x64xf32, #tpu.memory_space<vmem>>, vector<1x16xf32>,
    %get3A_578 = vector.shape_cast %get3A_577 : vector<1x16xf32> to vector<16xf32>
    %gt3A_579 = arith.cmpf ogt, %get3A_578, %select_n3A_570 : vector<16xf32>
    %select_n3A_580 = arith.select %gt3A_579, %get3A_578, %select_n3A_570 : vector<16xi1>, vector<16xf32>
    %jit3A_581 = arith.constant 5.500000e+01 : f32
    %broadcast_in_dim3A_582 = vector.broadcast %jit3A_581 : f32 to vector<16xf32>
    %select_n3A_583 = arith.select %gt3A_579, %broadcast_in_dim3A_582, %select_n3A_573 : vector<16xi1>, vector<16xf32>
    %get3A_584 = arith.constant 56 : i32
    %get3A_585 = arith.index_cast %get3A_584 : i32 to index
    %get3A_586 = arith.index_cast %mul3A_32 : i32 to index
    %get3A_587 = tpu.vector_load %arg4[%get3A_585, %get3A_586] {strides = array<i32>} : memref<128x64xf32, #tpu.memory_space<vmem>>, vector<1x16xf32>,
    %get3A_588 = vector.shape_cast %get3A_587 : vector<1x16xf32> to vector<16xf32>
    %gt3A_589 = arith.cmpf ogt, %get3A_588, %select_n3A_580 : vector<16xf32>
    %select_n3A_590 = arith.select %gt3A_589, %get3A_588, %select_n3A_580 : vector<16xi1>, vector<16xf32>
    %jit3A_591 = arith.constant 5.600000e+01 : f32
    %broadcast_in_dim3A_592 = vector.broadcast %jit3A_591 : f32 to vector<16xf32>
    %select_n3A_593 = arith.select %gt3A_589, %broadcast_in_dim3A_592, %select_n3A_583 : vector<16xi1>, vector<16xf32>
    %get3A_594 = arith.constant 57 : i32
    %get3A_595 = arith.index_cast %get3A_594 : i32 to index
    %get3A_596 = arith.index_cast %mul3A_32 : i32 to index
    %get3A_597 = tpu.vector_load %arg4[%get3A_595, %get3A_596] {strides = array<i32>} : memref<128x64xf32, #tpu.memory_space<vmem>>, vector<1x16xf32>,
    %get3A_598 = vector.shape_cast %get3A_597 : vector<1x16xf32> to vector<16xf32>
    %gt3A_599 = arith.cmpf ogt, %get3A_598, %select_n3A_590 : vector<16xf32>
    %select_n3A_600 = arith.select %gt3A_599, %get3A_598, %select_n3A_590 : vector<16xi1>, vector<16xf32>
    %jit3A_601 = arith.constant 5.700000e+01 : f32
    %broadcast_in_dim3A_602 = vector.broadcast %jit3A_601 : f32 to vector<16xf32>
    %select_n3A_603 = arith.select %gt3A_599, %broadcast_in_dim3A_602, %select_n3A_593 : vector<16xi1>, vector<16xf32>
    %get3A_604 = arith.constant 58 : i32
    %get3A_605 = arith.index_cast %get3A_604 : i32 to index
    %get3A_606 = arith.index_cast %mul3A_32 : i32 to index
    %get3A_607 = tpu.vector_load %arg4[%get3A_605, %get3A_606] {strides = array<i32>} : memref<128x64xf32, #tpu.memory_space<vmem>>, vector<1x16xf32>,
    %get3A_608 = vector.shape_cast %get3A_607 : vector<1x16xf32> to vector<16xf32>
    %gt3A_609 = arith.cmpf ogt, %get3A_608, %select_n3A_600 : vector<16xf32>
    %select_n3A_610 = arith.select %gt3A_609, %get3A_608, %select_n3A_600 : vector<16xi1>, vector<16xf32>
    %jit3A_611 = arith.constant 5.800000e+01 : f32
    %broadcast_in_dim3A_612 = vector.broadcast %jit3A_611 : f32 to vector<16xf32>
    %select_n3A_613 = arith.select %gt3A_609, %broadcast_in_dim3A_612, %select_n3A_603 : vector<16xi1>, vector<16xf32>
    %get3A_614 = arith.constant 59 : i32
    %get3A_615 = arith.index_cast %get3A_614 : i32 to index
    %get3A_616 = arith.index_cast %mul3A_32 : i32 to index
    %get3A_617 = tpu.vector_load %arg4[%get3A_615, %get3A_616] {strides = array<i32>} : memref<128x64xf32, #tpu.memory_space<vmem>>, vector<1x16xf32>,
    %get3A_618 = vector.shape_cast %get3A_617 : vector<1x16xf32> to vector<16xf32>
    %gt3A_619 = arith.cmpf ogt, %get3A_618, %select_n3A_610 : vector<16xf32>
    %select_n3A_620 = arith.select %gt3A_619, %get3A_618, %select_n3A_610 : vector<16xi1>, vector<16xf32>
    %jit3A_621 = arith.constant 5.900000e+01 : f32
    %broadcast_in_dim3A_622 = vector.broadcast %jit3A_621 : f32 to vector<16xf32>
    %select_n3A_623 = arith.select %gt3A_619, %broadcast_in_dim3A_622, %select_n3A_613 : vector<16xi1>, vector<16xf32>
    %get3A_624 = arith.constant 60 : i32
    %get3A_625 = arith.index_cast %get3A_624 : i32 to index
    %get3A_626 = arith.index_cast %mul3A_32 : i32 to index
    %get3A_627 = tpu.vector_load %arg4[%get3A_625, %get3A_626] {strides = array<i32>} : memref<128x64xf32, #tpu.memory_space<vmem>>, vector<1x16xf32>,
    %get3A_628 = vector.shape_cast %get3A_627 : vector<1x16xf32> to vector<16xf32>
    %gt3A_629 = arith.cmpf ogt, %get3A_628, %select_n3A_620 : vector<16xf32>
    %select_n3A_630 = arith.select %gt3A_629, %get3A_628, %select_n3A_620 : vector<16xi1>, vector<16xf32>
    %jit3A_631 = arith.constant 6.000000e+01 : f32
    %broadcast_in_dim3A_632 = vector.broadcast %jit3A_631 : f32 to vector<16xf32>
    %select_n3A_633 = arith.select %gt3A_629, %broadcast_in_dim3A_632, %select_n3A_623 : vector<16xi1>, vector<16xf32>
    %get3A_634 = arith.constant 61 : i32
    %get3A_635 = arith.index_cast %get3A_634 : i32 to index
    %get3A_636 = arith.index_cast %mul3A_32 : i32 to index
    %get3A_637 = tpu.vector_load %arg4[%get3A_635, %get3A_636] {strides = array<i32>} : memref<128x64xf32, #tpu.memory_space<vmem>>, vector<1x16xf32>,
    %get3A_638 = vector.shape_cast %get3A_637 : vector<1x16xf32> to vector<16xf32>
    %gt3A_639 = arith.cmpf ogt, %get3A_638, %select_n3A_630 : vector<16xf32>
    %select_n3A_640 = arith.select %gt3A_639, %get3A_638, %select_n3A_630 : vector<16xi1>, vector<16xf32>
    %jit3A_641 = arith.constant 6.100000e+01 : f32
    %broadcast_in_dim3A_642 = vector.broadcast %jit3A_641 : f32 to vector<16xf32>
    %select_n3A_643 = arith.select %gt3A_639, %broadcast_in_dim3A_642, %select_n3A_633 : vector<16xi1>, vector<16xf32>
    %get3A_644 = arith.constant 62 : i32
    %get3A_645 = arith.index_cast %get3A_644 : i32 to index
    %get3A_646 = arith.index_cast %mul3A_32 : i32 to index
    %get3A_647 = tpu.vector_load %arg4[%get3A_645, %get3A_646] {strides = array<i32>} : memref<128x64xf32, #tpu.memory_space<vmem>>, vector<1x16xf32>,
    %get3A_648 = vector.shape_cast %get3A_647 : vector<1x16xf32> to vector<16xf32>
    %gt3A_649 = arith.cmpf ogt, %get3A_648, %select_n3A_640 : vector<16xf32>
    %select_n3A_650 = arith.select %gt3A_649, %get3A_648, %select_n3A_640 : vector<16xi1>, vector<16xf32>
    %jit3A_651 = arith.constant 6.200000e+01 : f32
    %broadcast_in_dim3A_652 = vector.broadcast %jit3A_651 : f32 to vector<16xf32>
    %select_n3A_653 = arith.select %gt3A_649, %broadcast_in_dim3A_652, %select_n3A_643 : vector<16xi1>, vector<16xf32>
    %get3A_654 = arith.constant 63 : i32
    %get3A_655 = arith.index_cast %get3A_654 : i32 to index
    %get3A_656 = arith.index_cast %mul3A_32 : i32 to index
    %get3A_657 = tpu.vector_load %arg4[%get3A_655, %get3A_656] {strides = array<i32>} : memref<128x64xf32, #tpu.memory_space<vmem>>, vector<1x16xf32>,
    %get3A_658 = vector.shape_cast %get3A_657 : vector<1x16xf32> to vector<16xf32>
    %gt3A_659 = arith.cmpf ogt, %get3A_658, %select_n3A_650 : vector<16xf32>
    %select_n3A_660 = arith.select %gt3A_659, %get3A_658, %select_n3A_650 : vector<16xi1>, vector<16xf32>
    %jit3A_661 = arith.constant 6.300000e+01 : f32
    %broadcast_in_dim3A_662 = vector.broadcast %jit3A_661 : f32 to vector<16xf32>
    %select_n3A_663 = arith.select %gt3A_659, %broadcast_in_dim3A_662, %select_n3A_653 : vector<16xi1>, vector<16xf32>
    %get3A_664 = arith.constant 64 : i32
    %get3A_665 = arith.index_cast %get3A_664 : i32 to index
    %get3A_666 = arith.index_cast %mul3A_32 : i32 to index
    %get3A_667 = tpu.vector_load %arg4[%get3A_665, %get3A_666] {strides = array<i32>} : memref<128x64xf32, #tpu.memory_space<vmem>>, vector<1x16xf32>,
    %get3A_668 = vector.shape_cast %get3A_667 : vector<1x16xf32> to vector<16xf32>
    %broadcast_in_dim3A_669 = arith.constant 6.400000e+01 : f32
    %broadcast_in_dim3A_670 = vector.broadcast %broadcast_in_dim3A_669 : f32 to vector<16xf32>
    %get3A_671 = arith.constant 65 : i32
    %get3A_672 = arith.index_cast %get3A_671 : i32 to index
    %get3A_673 = arith.index_cast %mul3A_32 : i32 to index
    %get3A_674 = tpu.vector_load %arg4[%get3A_672, %get3A_673] {strides = array<i32>} : memref<128x64xf32, #tpu.memory_space<vmem>>, vector<1x16xf32>,
    %get3A_675 = vector.shape_cast %get3A_674 : vector<1x16xf32> to vector<16xf32>
    %gt3A_676 = arith.cmpf ogt, %get3A_675, %get3A_668 : vector<16xf32>
    %select_n3A_677 = arith.select %gt3A_676, %get3A_675, %get3A_668 : vector<16xi1>, vector<16xf32>
    %jit3A_678 = arith.constant 6.500000e+01 : f32
    %broadcast_in_dim3A_679 = vector.broadcast %jit3A_678 : f32 to vector<16xf32>
    %select_n3A_680 = arith.select %gt3A_676, %broadcast_in_dim3A_679, %broadcast_in_dim3A_670 : vector<16xi1>, vector<16xf32>
    %get3A_681 = arith.constant 66 : i32
    %get3A_682 = arith.index_cast %get3A_681 : i32 to index
    %get3A_683 = arith.index_cast %mul3A_32 : i32 to index
    %get3A_684 = tpu.vector_load %arg4[%get3A_682, %get3A_683] {strides = array<i32>} : memref<128x64xf32, #tpu.memory_space<vmem>>, vector<1x16xf32>,
    %get3A_685 = vector.shape_cast %get3A_684 : vector<1x16xf32> to vector<16xf32>
    %gt3A_686 = arith.cmpf ogt, %get3A_685, %select_n3A_677 : vector<16xf32>
    %select_n3A_687 = arith.select %gt3A_686, %get3A_685, %select_n3A_677 : vector<16xi1>, vector<16xf32>
    %jit3A_688 = arith.constant 6.600000e+01 : f32
    %broadcast_in_dim3A_689 = vector.broadcast %jit3A_688 : f32 to vector<16xf32>
    %select_n3A_690 = arith.select %gt3A_686, %broadcast_in_dim3A_689, %select_n3A_680 : vector<16xi1>, vector<16xf32>
    %get3A_691 = arith.constant 67 : i32
    %get3A_692 = arith.index_cast %get3A_691 : i32 to index
    %get3A_693 = arith.index_cast %mul3A_32 : i32 to index
    %get3A_694 = tpu.vector_load %arg4[%get3A_692, %get3A_693] {strides = array<i32>} : memref<128x64xf32, #tpu.memory_space<vmem>>, vector<1x16xf32>,
    %get3A_695 = vector.shape_cast %get3A_694 : vector<1x16xf32> to vector<16xf32>
    %gt3A_696 = arith.cmpf ogt, %get3A_695, %select_n3A_687 : vector<16xf32>
    %select_n3A_697 = arith.select %gt3A_696, %get3A_695, %select_n3A_687 : vector<16xi1>, vector<16xf32>
    %jit3A_698 = arith.constant 6.700000e+01 : f32
    %broadcast_in_dim3A_699 = vector.broadcast %jit3A_698 : f32 to vector<16xf32>
    %select_n3A_700 = arith.select %gt3A_696, %broadcast_in_dim3A_699, %select_n3A_690 : vector<16xi1>, vector<16xf32>
    %get3A_701 = arith.constant 68 : i32
    %get3A_702 = arith.index_cast %get3A_701 : i32 to index
    %get3A_703 = arith.index_cast %mul3A_32 : i32 to index
    %get3A_704 = tpu.vector_load %arg4[%get3A_702, %get3A_703] {strides = array<i32>} : memref<128x64xf32, #tpu.memory_space<vmem>>, vector<1x16xf32>,
    %get3A_705 = vector.shape_cast %get3A_704 : vector<1x16xf32> to vector<16xf32>
    %gt3A_706 = arith.cmpf ogt, %get3A_705, %select_n3A_697 : vector<16xf32>
    %select_n3A_707 = arith.select %gt3A_706, %get3A_705, %select_n3A_697 : vector<16xi1>, vector<16xf32>
    %jit3A_708 = arith.constant 6.800000e+01 : f32
    %broadcast_in_dim3A_709 = vector.broadcast %jit3A_708 : f32 to vector<16xf32>
    %select_n3A_710 = arith.select %gt3A_706, %broadcast_in_dim3A_709, %select_n3A_700 : vector<16xi1>, vector<16xf32>
    %get3A_711 = arith.constant 69 : i32
    %get3A_712 = arith.index_cast %get3A_711 : i32 to index
    %get3A_713 = arith.index_cast %mul3A_32 : i32 to index
    %get3A_714 = tpu.vector_load %arg4[%get3A_712, %get3A_713] {strides = array<i32>} : memref<128x64xf32, #tpu.memory_space<vmem>>, vector<1x16xf32>,
    %get3A_715 = vector.shape_cast %get3A_714 : vector<1x16xf32> to vector<16xf32>
    %gt3A_716 = arith.cmpf ogt, %get3A_715, %select_n3A_707 : vector<16xf32>
    %select_n3A_717 = arith.select %gt3A_716, %get3A_715, %select_n3A_707 : vector<16xi1>, vector<16xf32>
    %jit3A_718 = arith.constant 6.900000e+01 : f32
    %broadcast_in_dim3A_719 = vector.broadcast %jit3A_718 : f32 to vector<16xf32>
    %select_n3A_720 = arith.select %gt3A_716, %broadcast_in_dim3A_719, %select_n3A_710 : vector<16xi1>, vector<16xf32>
    %get3A_721 = arith.constant 70 : i32
    %get3A_722 = arith.index_cast %get3A_721 : i32 to index
    %get3A_723 = arith.index_cast %mul3A_32 : i32 to index
    %get3A_724 = tpu.vector_load %arg4[%get3A_722, %get3A_723] {strides = array<i32>} : memref<128x64xf32, #tpu.memory_space<vmem>>, vector<1x16xf32>,
    %get3A_725 = vector.shape_cast %get3A_724 : vector<1x16xf32> to vector<16xf32>
    %gt3A_726 = arith.cmpf ogt, %get3A_725, %select_n3A_717 : vector<16xf32>
    %select_n3A_727 = arith.select %gt3A_726, %get3A_725, %select_n3A_717 : vector<16xi1>, vector<16xf32>
    %jit3A_728 = arith.constant 7.000000e+01 : f32
    %broadcast_in_dim3A_729 = vector.broadcast %jit3A_728 : f32 to vector<16xf32>
    %select_n3A_730 = arith.select %gt3A_726, %broadcast_in_dim3A_729, %select_n3A_720 : vector<16xi1>, vector<16xf32>
    %get3A_731 = arith.constant 71 : i32
    %get3A_732 = arith.index_cast %get3A_731 : i32 to index
    %get3A_733 = arith.index_cast %mul3A_32 : i32 to index
    %get3A_734 = tpu.vector_load %arg4[%get3A_732, %get3A_733] {strides = array<i32>} : memref<128x64xf32, #tpu.memory_space<vmem>>, vector<1x16xf32>,
    %get3A_735 = vector.shape_cast %get3A_734 : vector<1x16xf32> to vector<16xf32>
    %gt3A_736 = arith.cmpf ogt, %get3A_735, %select_n3A_727 : vector<16xf32>
    %select_n3A_737 = arith.select %gt3A_736, %get3A_735, %select_n3A_727 : vector<16xi1>, vector<16xf32>
    %jit3A_738 = arith.constant 7.100000e+01 : f32
    %broadcast_in_dim3A_739 = vector.broadcast %jit3A_738 : f32 to vector<16xf32>
    %select_n3A_740 = arith.select %gt3A_736, %broadcast_in_dim3A_739, %select_n3A_730 : vector<16xi1>, vector<16xf32>
    %get3A_741 = arith.constant 72 : i32
    %get3A_742 = arith.index_cast %get3A_741 : i32 to index
    %get3A_743 = arith.index_cast %mul3A_32 : i32 to index
    %get3A_744 = tpu.vector_load %arg4[%get3A_742, %get3A_743] {strides = array<i32>} : memref<128x64xf32, #tpu.memory_space<vmem>>, vector<1x16xf32>,
    %get3A_745 = vector.shape_cast %get3A_744 : vector<1x16xf32> to vector<16xf32>
    %gt3A_746 = arith.cmpf ogt, %get3A_745, %select_n3A_737 : vector<16xf32>
    %select_n3A_747 = arith.select %gt3A_746, %get3A_745, %select_n3A_737 : vector<16xi1>, vector<16xf32>
    %jit3A_748 = arith.constant 7.200000e+01 : f32
    %broadcast_in_dim3A_749 = vector.broadcast %jit3A_748 : f32 to vector<16xf32>
    %select_n3A_750 = arith.select %gt3A_746, %broadcast_in_dim3A_749, %select_n3A_740 : vector<16xi1>, vector<16xf32>
    %get3A_751 = arith.constant 73 : i32
    %get3A_752 = arith.index_cast %get3A_751 : i32 to index
    %get3A_753 = arith.index_cast %mul3A_32 : i32 to index
    %get3A_754 = tpu.vector_load %arg4[%get3A_752, %get3A_753] {strides = array<i32>} : memref<128x64xf32, #tpu.memory_space<vmem>>, vector<1x16xf32>,
    %get3A_755 = vector.shape_cast %get3A_754 : vector<1x16xf32> to vector<16xf32>
    %gt3A_756 = arith.cmpf ogt, %get3A_755, %select_n3A_747 : vector<16xf32>
    %select_n3A_757 = arith.select %gt3A_756, %get3A_755, %select_n3A_747 : vector<16xi1>, vector<16xf32>
    %jit3A_758 = arith.constant 7.300000e+01 : f32
    %broadcast_in_dim3A_759 = vector.broadcast %jit3A_758 : f32 to vector<16xf32>
    %select_n3A_760 = arith.select %gt3A_756, %broadcast_in_dim3A_759, %select_n3A_750 : vector<16xi1>, vector<16xf32>
    %get3A_761 = arith.constant 74 : i32
    %get3A_762 = arith.index_cast %get3A_761 : i32 to index
    %get3A_763 = arith.index_cast %mul3A_32 : i32 to index
    %get3A_764 = tpu.vector_load %arg4[%get3A_762, %get3A_763] {strides = array<i32>} : memref<128x64xf32, #tpu.memory_space<vmem>>, vector<1x16xf32>,
    %get3A_765 = vector.shape_cast %get3A_764 : vector<1x16xf32> to vector<16xf32>
    %gt3A_766 = arith.cmpf ogt, %get3A_765, %select_n3A_757 : vector<16xf32>
    %select_n3A_767 = arith.select %gt3A_766, %get3A_765, %select_n3A_757 : vector<16xi1>, vector<16xf32>
    %jit3A_768 = arith.constant 7.400000e+01 : f32
    %broadcast_in_dim3A_769 = vector.broadcast %jit3A_768 : f32 to vector<16xf32>
    %select_n3A_770 = arith.select %gt3A_766, %broadcast_in_dim3A_769, %select_n3A_760 : vector<16xi1>, vector<16xf32>
    %get3A_771 = arith.constant 75 : i32
    %get3A_772 = arith.index_cast %get3A_771 : i32 to index
    %get3A_773 = arith.index_cast %mul3A_32 : i32 to index
    %get3A_774 = tpu.vector_load %arg4[%get3A_772, %get3A_773] {strides = array<i32>} : memref<128x64xf32, #tpu.memory_space<vmem>>, vector<1x16xf32>,
    %get3A_775 = vector.shape_cast %get3A_774 : vector<1x16xf32> to vector<16xf32>
    %gt3A_776 = arith.cmpf ogt, %get3A_775, %select_n3A_767 : vector<16xf32>
    %select_n3A_777 = arith.select %gt3A_776, %get3A_775, %select_n3A_767 : vector<16xi1>, vector<16xf32>
    %jit3A_778 = arith.constant 7.500000e+01 : f32
    %broadcast_in_dim3A_779 = vector.broadcast %jit3A_778 : f32 to vector<16xf32>
    %select_n3A_780 = arith.select %gt3A_776, %broadcast_in_dim3A_779, %select_n3A_770 : vector<16xi1>, vector<16xf32>
    %get3A_781 = arith.constant 76 : i32
    %get3A_782 = arith.index_cast %get3A_781 : i32 to index
    %get3A_783 = arith.index_cast %mul3A_32 : i32 to index
    %get3A_784 = tpu.vector_load %arg4[%get3A_782, %get3A_783] {strides = array<i32>} : memref<128x64xf32, #tpu.memory_space<vmem>>, vector<1x16xf32>,
    %get3A_785 = vector.shape_cast %get3A_784 : vector<1x16xf32> to vector<16xf32>
    %gt3A_786 = arith.cmpf ogt, %get3A_785, %select_n3A_777 : vector<16xf32>
    %select_n3A_787 = arith.select %gt3A_786, %get3A_785, %select_n3A_777 : vector<16xi1>, vector<16xf32>
    %jit3A_788 = arith.constant 7.600000e+01 : f32
    %broadcast_in_dim3A_789 = vector.broadcast %jit3A_788 : f32 to vector<16xf32>
    %select_n3A_790 = arith.select %gt3A_786, %broadcast_in_dim3A_789, %select_n3A_780 : vector<16xi1>, vector<16xf32>
    %get3A_791 = arith.constant 77 : i32
    %get3A_792 = arith.index_cast %get3A_791 : i32 to index
    %get3A_793 = arith.index_cast %mul3A_32 : i32 to index
    %get3A_794 = tpu.vector_load %arg4[%get3A_792, %get3A_793] {strides = array<i32>} : memref<128x64xf32, #tpu.memory_space<vmem>>, vector<1x16xf32>,
    %get3A_795 = vector.shape_cast %get3A_794 : vector<1x16xf32> to vector<16xf32>
    %gt3A_796 = arith.cmpf ogt, %get3A_795, %select_n3A_787 : vector<16xf32>
    %select_n3A_797 = arith.select %gt3A_796, %get3A_795, %select_n3A_787 : vector<16xi1>, vector<16xf32>
    %jit3A_798 = arith.constant 7.700000e+01 : f32
    %broadcast_in_dim3A_799 = vector.broadcast %jit3A_798 : f32 to vector<16xf32>
    %select_n3A_800 = arith.select %gt3A_796, %broadcast_in_dim3A_799, %select_n3A_790 : vector<16xi1>, vector<16xf32>
    %get3A_801 = arith.constant 78 : i32
    %get3A_802 = arith.index_cast %get3A_801 : i32 to index
    %get3A_803 = arith.index_cast %mul3A_32 : i32 to index
    %get3A_804 = tpu.vector_load %arg4[%get3A_802, %get3A_803] {strides = array<i32>} : memref<128x64xf32, #tpu.memory_space<vmem>>, vector<1x16xf32>,
    %get3A_805 = vector.shape_cast %get3A_804 : vector<1x16xf32> to vector<16xf32>
    %gt3A_806 = arith.cmpf ogt, %get3A_805, %select_n3A_797 : vector<16xf32>
    %select_n3A_807 = arith.select %gt3A_806, %get3A_805, %select_n3A_797 : vector<16xi1>, vector<16xf32>
    %jit3A_808 = arith.constant 7.800000e+01 : f32
    %broadcast_in_dim3A_809 = vector.broadcast %jit3A_808 : f32 to vector<16xf32>
    %select_n3A_810 = arith.select %gt3A_806, %broadcast_in_dim3A_809, %select_n3A_800 : vector<16xi1>, vector<16xf32>
    %get3A_811 = arith.constant 79 : i32
    %get3A_812 = arith.index_cast %get3A_811 : i32 to index
    %get3A_813 = arith.index_cast %mul3A_32 : i32 to index
    %get3A_814 = tpu.vector_load %arg4[%get3A_812, %get3A_813] {strides = array<i32>} : memref<128x64xf32, #tpu.memory_space<vmem>>, vector<1x16xf32>,
    %get3A_815 = vector.shape_cast %get3A_814 : vector<1x16xf32> to vector<16xf32>
    %gt3A_816 = arith.cmpf ogt, %get3A_815, %select_n3A_807 : vector<16xf32>
    %select_n3A_817 = arith.select %gt3A_816, %get3A_815, %select_n3A_807 : vector<16xi1>, vector<16xf32>
    %jit3A_818 = arith.constant 7.900000e+01 : f32
    %broadcast_in_dim3A_819 = vector.broadcast %jit3A_818 : f32 to vector<16xf32>
    %select_n3A_820 = arith.select %gt3A_816, %broadcast_in_dim3A_819, %select_n3A_810 : vector<16xi1>, vector<16xf32>
    %get3A_821 = arith.constant 80 : i32
    %get3A_822 = arith.index_cast %get3A_821 : i32 to index
    %get3A_823 = arith.index_cast %mul3A_32 : i32 to index
    %get3A_824 = tpu.vector_load %arg4[%get3A_822, %get3A_823] {strides = array<i32>} : memref<128x64xf32, #tpu.memory_space<vmem>>, vector<1x16xf32>,
    %get3A_825 = vector.shape_cast %get3A_824 : vector<1x16xf32> to vector<16xf32>
    %gt3A_826 = arith.cmpf ogt, %get3A_825, %select_n3A_817 : vector<16xf32>
    %select_n3A_827 = arith.select %gt3A_826, %get3A_825, %select_n3A_817 : vector<16xi1>, vector<16xf32>
    %jit3A_828 = arith.constant 8.000000e+01 : f32
    %broadcast_in_dim3A_829 = vector.broadcast %jit3A_828 : f32 to vector<16xf32>
    %select_n3A_830 = arith.select %gt3A_826, %broadcast_in_dim3A_829, %select_n3A_820 : vector<16xi1>, vector<16xf32>
    %get3A_831 = arith.constant 81 : i32
    %get3A_832 = arith.index_cast %get3A_831 : i32 to index
    %get3A_833 = arith.index_cast %mul3A_32 : i32 to index
    %get3A_834 = tpu.vector_load %arg4[%get3A_832, %get3A_833] {strides = array<i32>} : memref<128x64xf32, #tpu.memory_space<vmem>>, vector<1x16xf32>,
    %get3A_835 = vector.shape_cast %get3A_834 : vector<1x16xf32> to vector<16xf32>
    %gt3A_836 = arith.cmpf ogt, %get3A_835, %select_n3A_827 : vector<16xf32>
    %select_n3A_837 = arith.select %gt3A_836, %get3A_835, %select_n3A_827 : vector<16xi1>, vector<16xf32>
    %jit3A_838 = arith.constant 8.100000e+01 : f32
    %broadcast_in_dim3A_839 = vector.broadcast %jit3A_838 : f32 to vector<16xf32>
    %select_n3A_840 = arith.select %gt3A_836, %broadcast_in_dim3A_839, %select_n3A_830 : vector<16xi1>, vector<16xf32>
    %get3A_841 = arith.constant 82 : i32
    %get3A_842 = arith.index_cast %get3A_841 : i32 to index
    %get3A_843 = arith.index_cast %mul3A_32 : i32 to index
    %get3A_844 = tpu.vector_load %arg4[%get3A_842, %get3A_843] {strides = array<i32>} : memref<128x64xf32, #tpu.memory_space<vmem>>, vector<1x16xf32>,
    %get3A_845 = vector.shape_cast %get3A_844 : vector<1x16xf32> to vector<16xf32>
    %gt3A_846 = arith.cmpf ogt, %get3A_845, %select_n3A_837 : vector<16xf32>
    %select_n3A_847 = arith.select %gt3A_846, %get3A_845, %select_n3A_837 : vector<16xi1>, vector<16xf32>
    %jit3A_848 = arith.constant 8.200000e+01 : f32
    %broadcast_in_dim3A_849 = vector.broadcast %jit3A_848 : f32 to vector<16xf32>
    %select_n3A_850 = arith.select %gt3A_846, %broadcast_in_dim3A_849, %select_n3A_840 : vector<16xi1>, vector<16xf32>
    %get3A_851 = arith.constant 83 : i32
    %get3A_852 = arith.index_cast %get3A_851 : i32 to index
    %get3A_853 = arith.index_cast %mul3A_32 : i32 to index
    %get3A_854 = tpu.vector_load %arg4[%get3A_852, %get3A_853] {strides = array<i32>} : memref<128x64xf32, #tpu.memory_space<vmem>>, vector<1x16xf32>,
    %get3A_855 = vector.shape_cast %get3A_854 : vector<1x16xf32> to vector<16xf32>
    %gt3A_856 = arith.cmpf ogt, %get3A_855, %select_n3A_847 : vector<16xf32>
    %select_n3A_857 = arith.select %gt3A_856, %get3A_855, %select_n3A_847 : vector<16xi1>, vector<16xf32>
    %jit3A_858 = arith.constant 8.300000e+01 : f32
    %broadcast_in_dim3A_859 = vector.broadcast %jit3A_858 : f32 to vector<16xf32>
    %select_n3A_860 = arith.select %gt3A_856, %broadcast_in_dim3A_859, %select_n3A_850 : vector<16xi1>, vector<16xf32>
    %get3A_861 = arith.constant 84 : i32
    %get3A_862 = arith.index_cast %get3A_861 : i32 to index
    %get3A_863 = arith.index_cast %mul3A_32 : i32 to index
    %get3A_864 = tpu.vector_load %arg4[%get3A_862, %get3A_863] {strides = array<i32>} : memref<128x64xf32, #tpu.memory_space<vmem>>, vector<1x16xf32>,
    %get3A_865 = vector.shape_cast %get3A_864 : vector<1x16xf32> to vector<16xf32>
    %gt3A_866 = arith.cmpf ogt, %get3A_865, %select_n3A_857 : vector<16xf32>
    %select_n3A_867 = arith.select %gt3A_866, %get3A_865, %select_n3A_857 : vector<16xi1>, vector<16xf32>
    %jit3A_868 = arith.constant 8.400000e+01 : f32
    %broadcast_in_dim3A_869 = vector.broadcast %jit3A_868 : f32 to vector<16xf32>
    %select_n3A_870 = arith.select %gt3A_866, %broadcast_in_dim3A_869, %select_n3A_860 : vector<16xi1>, vector<16xf32>
    %get3A_871 = arith.constant 85 : i32
    %get3A_872 = arith.index_cast %get3A_871 : i32 to index
    %get3A_873 = arith.index_cast %mul3A_32 : i32 to index
    %get3A_874 = tpu.vector_load %arg4[%get3A_872, %get3A_873] {strides = array<i32>} : memref<128x64xf32, #tpu.memory_space<vmem>>, vector<1x16xf32>,
    %get3A_875 = vector.shape_cast %get3A_874 : vector<1x16xf32> to vector<16xf32>
    %gt3A_876 = arith.cmpf ogt, %get3A_875, %select_n3A_867 : vector<16xf32>
    %select_n3A_877 = arith.select %gt3A_876, %get3A_875, %select_n3A_867 : vector<16xi1>, vector<16xf32>
    %jit3A_878 = arith.constant 8.500000e+01 : f32
    %broadcast_in_dim3A_879 = vector.broadcast %jit3A_878 : f32 to vector<16xf32>
    %select_n3A_880 = arith.select %gt3A_876, %broadcast_in_dim3A_879, %select_n3A_870 : vector<16xi1>, vector<16xf32>
    %get3A_881 = arith.constant 86 : i32
    %get3A_882 = arith.index_cast %get3A_881 : i32 to index
    %get3A_883 = arith.index_cast %mul3A_32 : i32 to index
    %get3A_884 = tpu.vector_load %arg4[%get3A_882, %get3A_883] {strides = array<i32>} : memref<128x64xf32, #tpu.memory_space<vmem>>, vector<1x16xf32>,
    %get3A_885 = vector.shape_cast %get3A_884 : vector<1x16xf32> to vector<16xf32>
    %gt3A_886 = arith.cmpf ogt, %get3A_885, %select_n3A_877 : vector<16xf32>
    %select_n3A_887 = arith.select %gt3A_886, %get3A_885, %select_n3A_877 : vector<16xi1>, vector<16xf32>
    %jit3A_888 = arith.constant 8.600000e+01 : f32
    %broadcast_in_dim3A_889 = vector.broadcast %jit3A_888 : f32 to vector<16xf32>
    %select_n3A_890 = arith.select %gt3A_886, %broadcast_in_dim3A_889, %select_n3A_880 : vector<16xi1>, vector<16xf32>
    %get3A_891 = arith.constant 87 : i32
    %get3A_892 = arith.index_cast %get3A_891 : i32 to index
    %get3A_893 = arith.index_cast %mul3A_32 : i32 to index
    %get3A_894 = tpu.vector_load %arg4[%get3A_892, %get3A_893] {strides = array<i32>} : memref<128x64xf32, #tpu.memory_space<vmem>>, vector<1x16xf32>,
    %get3A_895 = vector.shape_cast %get3A_894 : vector<1x16xf32> to vector<16xf32>
    %gt3A_896 = arith.cmpf ogt, %get3A_895, %select_n3A_887 : vector<16xf32>
    %select_n3A_897 = arith.select %gt3A_896, %get3A_895, %select_n3A_887 : vector<16xi1>, vector<16xf32>
    %jit3A_898 = arith.constant 8.700000e+01 : f32
    %broadcast_in_dim3A_899 = vector.broadcast %jit3A_898 : f32 to vector<16xf32>
    %select_n3A_900 = arith.select %gt3A_896, %broadcast_in_dim3A_899, %select_n3A_890 : vector<16xi1>, vector<16xf32>
    %get3A_901 = arith.constant 88 : i32
    %get3A_902 = arith.index_cast %get3A_901 : i32 to index
    %get3A_903 = arith.index_cast %mul3A_32 : i32 to index
    %get3A_904 = tpu.vector_load %arg4[%get3A_902, %get3A_903] {strides = array<i32>} : memref<128x64xf32, #tpu.memory_space<vmem>>, vector<1x16xf32>,
    %get3A_905 = vector.shape_cast %get3A_904 : vector<1x16xf32> to vector<16xf32>
    %gt3A_906 = arith.cmpf ogt, %get3A_905, %select_n3A_897 : vector<16xf32>
    %select_n3A_907 = arith.select %gt3A_906, %get3A_905, %select_n3A_897 : vector<16xi1>, vector<16xf32>
    %jit3A_908 = arith.constant 8.800000e+01 : f32
    %broadcast_in_dim3A_909 = vector.broadcast %jit3A_908 : f32 to vector<16xf32>
    %select_n3A_910 = arith.select %gt3A_906, %broadcast_in_dim3A_909, %select_n3A_900 : vector<16xi1>, vector<16xf32>
    %get3A_911 = arith.constant 89 : i32
    %get3A_912 = arith.index_cast %get3A_911 : i32 to index
    %get3A_913 = arith.index_cast %mul3A_32 : i32 to index
    %get3A_914 = tpu.vector_load %arg4[%get3A_912, %get3A_913] {strides = array<i32>} : memref<128x64xf32, #tpu.memory_space<vmem>>, vector<1x16xf32>,
    %get3A_915 = vector.shape_cast %get3A_914 : vector<1x16xf32> to vector<16xf32>
    %gt3A_916 = arith.cmpf ogt, %get3A_915, %select_n3A_907 : vector<16xf32>
    %select_n3A_917 = arith.select %gt3A_916, %get3A_915, %select_n3A_907 : vector<16xi1>, vector<16xf32>
    %jit3A_918 = arith.constant 8.900000e+01 : f32
    %broadcast_in_dim3A_919 = vector.broadcast %jit3A_918 : f32 to vector<16xf32>
    %select_n3A_920 = arith.select %gt3A_916, %broadcast_in_dim3A_919, %select_n3A_910 : vector<16xi1>, vector<16xf32>
    %get3A_921 = arith.constant 90 : i32
    %get3A_922 = arith.index_cast %get3A_921 : i32 to index
    %get3A_923 = arith.index_cast %mul3A_32 : i32 to index
    %get3A_924 = tpu.vector_load %arg4[%get3A_922, %get3A_923] {strides = array<i32>} : memref<128x64xf32, #tpu.memory_space<vmem>>, vector<1x16xf32>,
    %get3A_925 = vector.shape_cast %get3A_924 : vector<1x16xf32> to vector<16xf32>
    %gt3A_926 = arith.cmpf ogt, %get3A_925, %select_n3A_917 : vector<16xf32>
    %select_n3A_927 = arith.select %gt3A_926, %get3A_925, %select_n3A_917 : vector<16xi1>, vector<16xf32>
    %jit3A_928 = arith.constant 9.000000e+01 : f32
    %broadcast_in_dim3A_929 = vector.broadcast %jit3A_928 : f32 to vector<16xf32>
    %select_n3A_930 = arith.select %gt3A_926, %broadcast_in_dim3A_929, %select_n3A_920 : vector<16xi1>, vector<16xf32>
    %get3A_931 = arith.constant 91 : i32
    %get3A_932 = arith.index_cast %get3A_931 : i32 to index
    %get3A_933 = arith.index_cast %mul3A_32 : i32 to index
    %get3A_934 = tpu.vector_load %arg4[%get3A_932, %get3A_933] {strides = array<i32>} : memref<128x64xf32, #tpu.memory_space<vmem>>, vector<1x16xf32>,
    %get3A_935 = vector.shape_cast %get3A_934 : vector<1x16xf32> to vector<16xf32>
    %gt3A_936 = arith.cmpf ogt, %get3A_935, %select_n3A_927 : vector<16xf32>
    %select_n3A_937 = arith.select %gt3A_936, %get3A_935, %select_n3A_927 : vector<16xi1>, vector<16xf32>
    %jit3A_938 = arith.constant 9.100000e+01 : f32
    %broadcast_in_dim3A_939 = vector.broadcast %jit3A_938 : f32 to vector<16xf32>
    %select_n3A_940 = arith.select %gt3A_936, %broadcast_in_dim3A_939, %select_n3A_930 : vector<16xi1>, vector<16xf32>
    %get3A_941 = arith.constant 92 : i32
    %get3A_942 = arith.index_cast %get3A_941 : i32 to index
    %get3A_943 = arith.index_cast %mul3A_32 : i32 to index
    %get3A_944 = tpu.vector_load %arg4[%get3A_942, %get3A_943] {strides = array<i32>} : memref<128x64xf32, #tpu.memory_space<vmem>>, vector<1x16xf32>,
    %get3A_945 = vector.shape_cast %get3A_944 : vector<1x16xf32> to vector<16xf32>
    %gt3A_946 = arith.cmpf ogt, %get3A_945, %select_n3A_937 : vector<16xf32>
    %select_n3A_947 = arith.select %gt3A_946, %get3A_945, %select_n3A_937 : vector<16xi1>, vector<16xf32>
    %jit3A_948 = arith.constant 9.200000e+01 : f32
    %broadcast_in_dim3A_949 = vector.broadcast %jit3A_948 : f32 to vector<16xf32>
    %select_n3A_950 = arith.select %gt3A_946, %broadcast_in_dim3A_949, %select_n3A_940 : vector<16xi1>, vector<16xf32>
    %get3A_951 = arith.constant 93 : i32
    %get3A_952 = arith.index_cast %get3A_951 : i32 to index
    %get3A_953 = arith.index_cast %mul3A_32 : i32 to index
    %get3A_954 = tpu.vector_load %arg4[%get3A_952, %get3A_953] {strides = array<i32>} : memref<128x64xf32, #tpu.memory_space<vmem>>, vector<1x16xf32>,
    %get3A_955 = vector.shape_cast %get3A_954 : vector<1x16xf32> to vector<16xf32>
    %gt3A_956 = arith.cmpf ogt, %get3A_955, %select_n3A_947 : vector<16xf32>
    %select_n3A_957 = arith.select %gt3A_956, %get3A_955, %select_n3A_947 : vector<16xi1>, vector<16xf32>
    %jit3A_958 = arith.constant 9.300000e+01 : f32
    %broadcast_in_dim3A_959 = vector.broadcast %jit3A_958 : f32 to vector<16xf32>
    %select_n3A_960 = arith.select %gt3A_956, %broadcast_in_dim3A_959, %select_n3A_950 : vector<16xi1>, vector<16xf32>
    %get3A_961 = arith.constant 94 : i32
    %get3A_962 = arith.index_cast %get3A_961 : i32 to index
    %get3A_963 = arith.index_cast %mul3A_32 : i32 to index
    %get3A_964 = tpu.vector_load %arg4[%get3A_962, %get3A_963] {strides = array<i32>} : memref<128x64xf32, #tpu.memory_space<vmem>>, vector<1x16xf32>,
    %get3A_965 = vector.shape_cast %get3A_964 : vector<1x16xf32> to vector<16xf32>
    %gt3A_966 = arith.cmpf ogt, %get3A_965, %select_n3A_957 : vector<16xf32>
    %select_n3A_967 = arith.select %gt3A_966, %get3A_965, %select_n3A_957 : vector<16xi1>, vector<16xf32>
    %jit3A_968 = arith.constant 9.400000e+01 : f32
    %broadcast_in_dim3A_969 = vector.broadcast %jit3A_968 : f32 to vector<16xf32>
    %select_n3A_970 = arith.select %gt3A_966, %broadcast_in_dim3A_969, %select_n3A_960 : vector<16xi1>, vector<16xf32>
    %get3A_971 = arith.constant 95 : i32
    %get3A_972 = arith.index_cast %get3A_971 : i32 to index
    %get3A_973 = arith.index_cast %mul3A_32 : i32 to index
    %get3A_974 = tpu.vector_load %arg4[%get3A_972, %get3A_973] {strides = array<i32>} : memref<128x64xf32, #tpu.memory_space<vmem>>, vector<1x16xf32>,
    %get3A_975 = vector.shape_cast %get3A_974 : vector<1x16xf32> to vector<16xf32>
    %gt3A_976 = arith.cmpf ogt, %get3A_975, %select_n3A_967 : vector<16xf32>
    %select_n3A_977 = arith.select %gt3A_976, %get3A_975, %select_n3A_967 : vector<16xi1>, vector<16xf32>
    %jit3A_978 = arith.constant 9.500000e+01 : f32
    %broadcast_in_dim3A_979 = vector.broadcast %jit3A_978 : f32 to vector<16xf32>
    %select_n3A_980 = arith.select %gt3A_976, %broadcast_in_dim3A_979, %select_n3A_970 : vector<16xi1>, vector<16xf32>
    %get3A_981 = arith.constant 96 : i32
    %get3A_982 = arith.index_cast %get3A_981 : i32 to index
    %get3A_983 = arith.index_cast %mul3A_32 : i32 to index
    %get3A_984 = tpu.vector_load %arg4[%get3A_982, %get3A_983] {strides = array<i32>} : memref<128x64xf32, #tpu.memory_space<vmem>>, vector<1x16xf32>,
    %get3A_985 = vector.shape_cast %get3A_984 : vector<1x16xf32> to vector<16xf32>
    %broadcast_in_dim3A_986 = arith.constant 9.600000e+01 : f32
    %broadcast_in_dim3A_987 = vector.broadcast %broadcast_in_dim3A_986 : f32 to vector<16xf32>
    %get3A_988 = arith.constant 97 : i32
    %get3A_989 = arith.index_cast %get3A_988 : i32 to index
    %get3A_990 = arith.index_cast %mul3A_32 : i32 to index
    %get3A_991 = tpu.vector_load %arg4[%get3A_989, %get3A_990] {strides = array<i32>} : memref<128x64xf32, #tpu.memory_space<vmem>>, vector<1x16xf32>,
    %get3A_992 = vector.shape_cast %get3A_991 : vector<1x16xf32> to vector<16xf32>
    %gt3A_993 = arith.cmpf ogt, %get3A_992, %get3A_985 : vector<16xf32>
    %select_n3A_994 = arith.select %gt3A_993, %get3A_992, %get3A_985 : vector<16xi1>, vector<16xf32>
    %jit3A_995 = arith.constant 9.700000e+01 : f32
    %broadcast_in_dim3A_996 = vector.broadcast %jit3A_995 : f32 to vector<16xf32>
    %select_n3A_997 = arith.select %gt3A_993, %broadcast_in_dim3A_996, %broadcast_in_dim3A_987 : vector<16xi1>, vector<16xf32>
    %get3A_998 = arith.constant 98 : i32
    %get3A_999 = arith.index_cast %get3A_998 : i32 to index
    %get3A_1000 = arith.index_cast %mul3A_32 : i32 to index
    %get3A_1001 = tpu.vector_load %arg4[%get3A_999, %get3A_1000] {strides = array<i32>} : memref<128x64xf32, #tpu.memory_space<vmem>>, vector<1x16xf32>,
    %get3A_1002 = vector.shape_cast %get3A_1001 : vector<1x16xf32> to vector<16xf32>
    %gt3A_1003 = arith.cmpf ogt, %get3A_1002, %select_n3A_994 : vector<16xf32>
    %select_n3A_1004 = arith.select %gt3A_1003, %get3A_1002, %select_n3A_994 : vector<16xi1>, vector<16xf32>
    %jit3A_1005 = arith.constant 9.800000e+01 : f32
    %broadcast_in_dim3A_1006 = vector.broadcast %jit3A_1005 : f32 to vector<16xf32>
    %select_n3A_1007 = arith.select %gt3A_1003, %broadcast_in_dim3A_1006, %select_n3A_997 : vector<16xi1>, vector<16xf32>
    %get3A_1008 = arith.constant 99 : i32
    %get3A_1009 = arith.index_cast %get3A_1008 : i32 to index
    %get3A_1010 = arith.index_cast %mul3A_32 : i32 to index
    %get3A_1011 = tpu.vector_load %arg4[%get3A_1009, %get3A_1010] {strides = array<i32>} : memref<128x64xf32, #tpu.memory_space<vmem>>, vector<1x16xf32>,
    %get3A_1012 = vector.shape_cast %get3A_1011 : vector<1x16xf32> to vector<16xf32>
    %gt3A_1013 = arith.cmpf ogt, %get3A_1012, %select_n3A_1004 : vector<16xf32>
    %select_n3A_1014 = arith.select %gt3A_1013, %get3A_1012, %select_n3A_1004 : vector<16xi1>, vector<16xf32>
    %jit3A_1015 = arith.constant 9.900000e+01 : f32
    %broadcast_in_dim3A_1016 = vector.broadcast %jit3A_1015 : f32 to vector<16xf32>
    %select_n3A_1017 = arith.select %gt3A_1013, %broadcast_in_dim3A_1016, %select_n3A_1007 : vector<16xi1>, vector<16xf32>
    %get3A_1018 = arith.constant 100 : i32
    %get3A_1019 = arith.index_cast %get3A_1018 : i32 to index
    %get3A_1020 = arith.index_cast %mul3A_32 : i32 to index
    %get3A_1021 = tpu.vector_load %arg4[%get3A_1019, %get3A_1020] {strides = array<i32>} : memref<128x64xf32, #tpu.memory_space<vmem>>, vector<1x16xf32>,
    %get3A_1022 = vector.shape_cast %get3A_1021 : vector<1x16xf32> to vector<16xf32>
    %gt3A_1023 = arith.cmpf ogt, %get3A_1022, %select_n3A_1014 : vector<16xf32>
    %select_n3A_1024 = arith.select %gt3A_1023, %get3A_1022, %select_n3A_1014 : vector<16xi1>, vector<16xf32>
    %jit3A_1025 = arith.constant 1.000000e+02 : f32
    %broadcast_in_dim3A_1026 = vector.broadcast %jit3A_1025 : f32 to vector<16xf32>
    %select_n3A_1027 = arith.select %gt3A_1023, %broadcast_in_dim3A_1026, %select_n3A_1017 : vector<16xi1>, vector<16xf32>
    %get3A_1028 = arith.constant 101 : i32
    %get3A_1029 = arith.index_cast %get3A_1028 : i32 to index
    %get3A_1030 = arith.index_cast %mul3A_32 : i32 to index
    %get3A_1031 = tpu.vector_load %arg4[%get3A_1029, %get3A_1030] {strides = array<i32>} : memref<128x64xf32, #tpu.memory_space<vmem>>, vector<1x16xf32>,
    %get3A_1032 = vector.shape_cast %get3A_1031 : vector<1x16xf32> to vector<16xf32>
    %gt3A_1033 = arith.cmpf ogt, %get3A_1032, %select_n3A_1024 : vector<16xf32>
    %select_n3A_1034 = arith.select %gt3A_1033, %get3A_1032, %select_n3A_1024 : vector<16xi1>, vector<16xf32>
    %jit3A_1035 = arith.constant 1.010000e+02 : f32
    %broadcast_in_dim3A_1036 = vector.broadcast %jit3A_1035 : f32 to vector<16xf32>
    %select_n3A_1037 = arith.select %gt3A_1033, %broadcast_in_dim3A_1036, %select_n3A_1027 : vector<16xi1>, vector<16xf32>
    %get3A_1038 = arith.constant 102 : i32
    %get3A_1039 = arith.index_cast %get3A_1038 : i32 to index
    %get3A_1040 = arith.index_cast %mul3A_32 : i32 to index
    %get3A_1041 = tpu.vector_load %arg4[%get3A_1039, %get3A_1040] {strides = array<i32>} : memref<128x64xf32, #tpu.memory_space<vmem>>, vector<1x16xf32>,
    %get3A_1042 = vector.shape_cast %get3A_1041 : vector<1x16xf32> to vector<16xf32>
    %gt3A_1043 = arith.cmpf ogt, %get3A_1042, %select_n3A_1034 : vector<16xf32>
    %select_n3A_1044 = arith.select %gt3A_1043, %get3A_1042, %select_n3A_1034 : vector<16xi1>, vector<16xf32>
    %jit3A_1045 = arith.constant 1.020000e+02 : f32
    %broadcast_in_dim3A_1046 = vector.broadcast %jit3A_1045 : f32 to vector<16xf32>
    %select_n3A_1047 = arith.select %gt3A_1043, %broadcast_in_dim3A_1046, %select_n3A_1037 : vector<16xi1>, vector<16xf32>
    %get3A_1048 = arith.constant 103 : i32
    %get3A_1049 = arith.index_cast %get3A_1048 : i32 to index
    %get3A_1050 = arith.index_cast %mul3A_32 : i32 to index
    %get3A_1051 = tpu.vector_load %arg4[%get3A_1049, %get3A_1050] {strides = array<i32>} : memref<128x64xf32, #tpu.memory_space<vmem>>, vector<1x16xf32>,
    %get3A_1052 = vector.shape_cast %get3A_1051 : vector<1x16xf32> to vector<16xf32>
    %gt3A_1053 = arith.cmpf ogt, %get3A_1052, %select_n3A_1044 : vector<16xf32>
    %select_n3A_1054 = arith.select %gt3A_1053, %get3A_1052, %select_n3A_1044 : vector<16xi1>, vector<16xf32>
    %jit3A_1055 = arith.constant 1.030000e+02 : f32
    %broadcast_in_dim3A_1056 = vector.broadcast %jit3A_1055 : f32 to vector<16xf32>
    %select_n3A_1057 = arith.select %gt3A_1053, %broadcast_in_dim3A_1056, %select_n3A_1047 : vector<16xi1>, vector<16xf32>
    %get3A_1058 = arith.constant 104 : i32
    %get3A_1059 = arith.index_cast %get3A_1058 : i32 to index
    %get3A_1060 = arith.index_cast %mul3A_32 : i32 to index
    %get3A_1061 = tpu.vector_load %arg4[%get3A_1059, %get3A_1060] {strides = array<i32>} : memref<128x64xf32, #tpu.memory_space<vmem>>, vector<1x16xf32>,
    %get3A_1062 = vector.shape_cast %get3A_1061 : vector<1x16xf32> to vector<16xf32>
    %gt3A_1063 = arith.cmpf ogt, %get3A_1062, %select_n3A_1054 : vector<16xf32>
    %select_n3A_1064 = arith.select %gt3A_1063, %get3A_1062, %select_n3A_1054 : vector<16xi1>, vector<16xf32>
    %jit3A_1065 = arith.constant 1.040000e+02 : f32
    %broadcast_in_dim3A_1066 = vector.broadcast %jit3A_1065 : f32 to vector<16xf32>
    %select_n3A_1067 = arith.select %gt3A_1063, %broadcast_in_dim3A_1066, %select_n3A_1057 : vector<16xi1>, vector<16xf32>
    %get3A_1068 = arith.constant 105 : i32
    %get3A_1069 = arith.index_cast %get3A_1068 : i32 to index
    %get3A_1070 = arith.index_cast %mul3A_32 : i32 to index
    %get3A_1071 = tpu.vector_load %arg4[%get3A_1069, %get3A_1070] {strides = array<i32>} : memref<128x64xf32, #tpu.memory_space<vmem>>, vector<1x16xf32>,
    %get3A_1072 = vector.shape_cast %get3A_1071 : vector<1x16xf32> to vector<16xf32>
    %gt3A_1073 = arith.cmpf ogt, %get3A_1072, %select_n3A_1064 : vector<16xf32>
    %select_n3A_1074 = arith.select %gt3A_1073, %get3A_1072, %select_n3A_1064 : vector<16xi1>, vector<16xf32>
    %jit3A_1075 = arith.constant 1.050000e+02 : f32
    %broadcast_in_dim3A_1076 = vector.broadcast %jit3A_1075 : f32 to vector<16xf32>
    %select_n3A_1077 = arith.select %gt3A_1073, %broadcast_in_dim3A_1076, %select_n3A_1067 : vector<16xi1>, vector<16xf32>
    %get3A_1078 = arith.constant 106 : i32
    %get3A_1079 = arith.index_cast %get3A_1078 : i32 to index
    %get3A_1080 = arith.index_cast %mul3A_32 : i32 to index
    %get3A_1081 = tpu.vector_load %arg4[%get3A_1079, %get3A_1080] {strides = array<i32>} : memref<128x64xf32, #tpu.memory_space<vmem>>, vector<1x16xf32>,
    %get3A_1082 = vector.shape_cast %get3A_1081 : vector<1x16xf32> to vector<16xf32>
    %gt3A_1083 = arith.cmpf ogt, %get3A_1082, %select_n3A_1074 : vector<16xf32>
    %select_n3A_1084 = arith.select %gt3A_1083, %get3A_1082, %select_n3A_1074 : vector<16xi1>, vector<16xf32>
    %jit3A_1085 = arith.constant 1.060000e+02 : f32
    %broadcast_in_dim3A_1086 = vector.broadcast %jit3A_1085 : f32 to vector<16xf32>
    %select_n3A_1087 = arith.select %gt3A_1083, %broadcast_in_dim3A_1086, %select_n3A_1077 : vector<16xi1>, vector<16xf32>
    %get3A_1088 = arith.constant 107 : i32
    %get3A_1089 = arith.index_cast %get3A_1088 : i32 to index
    %get3A_1090 = arith.index_cast %mul3A_32 : i32 to index
    %get3A_1091 = tpu.vector_load %arg4[%get3A_1089, %get3A_1090] {strides = array<i32>} : memref<128x64xf32, #tpu.memory_space<vmem>>, vector<1x16xf32>,
    %get3A_1092 = vector.shape_cast %get3A_1091 : vector<1x16xf32> to vector<16xf32>
    %gt3A_1093 = arith.cmpf ogt, %get3A_1092, %select_n3A_1084 : vector<16xf32>
    %select_n3A_1094 = arith.select %gt3A_1093, %get3A_1092, %select_n3A_1084 : vector<16xi1>, vector<16xf32>
    %jit3A_1095 = arith.constant 1.070000e+02 : f32
    %broadcast_in_dim3A_1096 = vector.broadcast %jit3A_1095 : f32 to vector<16xf32>
    %select_n3A_1097 = arith.select %gt3A_1093, %broadcast_in_dim3A_1096, %select_n3A_1087 : vector<16xi1>, vector<16xf32>
    %get3A_1098 = arith.constant 108 : i32
    %get3A_1099 = arith.index_cast %get3A_1098 : i32 to index
    %get3A_1100 = arith.index_cast %mul3A_32 : i32 to index
    %get3A_1101 = tpu.vector_load %arg4[%get3A_1099, %get3A_1100] {strides = array<i32>} : memref<128x64xf32, #tpu.memory_space<vmem>>, vector<1x16xf32>,
    %get3A_1102 = vector.shape_cast %get3A_1101 : vector<1x16xf32> to vector<16xf32>
    %gt3A_1103 = arith.cmpf ogt, %get3A_1102, %select_n3A_1094 : vector<16xf32>
    %select_n3A_1104 = arith.select %gt3A_1103, %get3A_1102, %select_n3A_1094 : vector<16xi1>, vector<16xf32>
    %jit3A_1105 = arith.constant 1.080000e+02 : f32
    %broadcast_in_dim3A_1106 = vector.broadcast %jit3A_1105 : f32 to vector<16xf32>
    %select_n3A_1107 = arith.select %gt3A_1103, %broadcast_in_dim3A_1106, %select_n3A_1097 : vector<16xi1>, vector<16xf32>
    %get3A_1108 = arith.constant 109 : i32
    %get3A_1109 = arith.index_cast %get3A_1108 : i32 to index
    %get3A_1110 = arith.index_cast %mul3A_32 : i32 to index
    %get3A_1111 = tpu.vector_load %arg4[%get3A_1109, %get3A_1110] {strides = array<i32>} : memref<128x64xf32, #tpu.memory_space<vmem>>, vector<1x16xf32>,
    %get3A_1112 = vector.shape_cast %get3A_1111 : vector<1x16xf32> to vector<16xf32>
    %gt3A_1113 = arith.cmpf ogt, %get3A_1112, %select_n3A_1104 : vector<16xf32>
    %select_n3A_1114 = arith.select %gt3A_1113, %get3A_1112, %select_n3A_1104 : vector<16xi1>, vector<16xf32>
    %jit3A_1115 = arith.constant 1.090000e+02 : f32
    %broadcast_in_dim3A_1116 = vector.broadcast %jit3A_1115 : f32 to vector<16xf32>
    %select_n3A_1117 = arith.select %gt3A_1113, %broadcast_in_dim3A_1116, %select_n3A_1107 : vector<16xi1>, vector<16xf32>
    %get3A_1118 = arith.constant 110 : i32
    %get3A_1119 = arith.index_cast %get3A_1118 : i32 to index
    %get3A_1120 = arith.index_cast %mul3A_32 : i32 to index
    %get3A_1121 = tpu.vector_load %arg4[%get3A_1119, %get3A_1120] {strides = array<i32>} : memref<128x64xf32, #tpu.memory_space<vmem>>, vector<1x16xf32>,
    %get3A_1122 = vector.shape_cast %get3A_1121 : vector<1x16xf32> to vector<16xf32>
    %gt3A_1123 = arith.cmpf ogt, %get3A_1122, %select_n3A_1114 : vector<16xf32>
    %select_n3A_1124 = arith.select %gt3A_1123, %get3A_1122, %select_n3A_1114 : vector<16xi1>, vector<16xf32>
    %jit3A_1125 = arith.constant 1.100000e+02 : f32
    %broadcast_in_dim3A_1126 = vector.broadcast %jit3A_1125 : f32 to vector<16xf32>
    %select_n3A_1127 = arith.select %gt3A_1123, %broadcast_in_dim3A_1126, %select_n3A_1117 : vector<16xi1>, vector<16xf32>
    %get3A_1128 = arith.constant 111 : i32
    %get3A_1129 = arith.index_cast %get3A_1128 : i32 to index
    %get3A_1130 = arith.index_cast %mul3A_32 : i32 to index
    %get3A_1131 = tpu.vector_load %arg4[%get3A_1129, %get3A_1130] {strides = array<i32>} : memref<128x64xf32, #tpu.memory_space<vmem>>, vector<1x16xf32>,
    %get3A_1132 = vector.shape_cast %get3A_1131 : vector<1x16xf32> to vector<16xf32>
    %gt3A_1133 = arith.cmpf ogt, %get3A_1132, %select_n3A_1124 : vector<16xf32>
    %select_n3A_1134 = arith.select %gt3A_1133, %get3A_1132, %select_n3A_1124 : vector<16xi1>, vector<16xf32>
    %jit3A_1135 = arith.constant 1.110000e+02 : f32
    %broadcast_in_dim3A_1136 = vector.broadcast %jit3A_1135 : f32 to vector<16xf32>
    %select_n3A_1137 = arith.select %gt3A_1133, %broadcast_in_dim3A_1136, %select_n3A_1127 : vector<16xi1>, vector<16xf32>
    %get3A_1138 = arith.constant 112 : i32
    %get3A_1139 = arith.index_cast %get3A_1138 : i32 to index
    %get3A_1140 = arith.index_cast %mul3A_32 : i32 to index
    %get3A_1141 = tpu.vector_load %arg4[%get3A_1139, %get3A_1140] {strides = array<i32>} : memref<128x64xf32, #tpu.memory_space<vmem>>, vector<1x16xf32>,
    %get3A_1142 = vector.shape_cast %get3A_1141 : vector<1x16xf32> to vector<16xf32>
    %gt3A_1143 = arith.cmpf ogt, %get3A_1142, %select_n3A_1134 : vector<16xf32>
    %select_n3A_1144 = arith.select %gt3A_1143, %get3A_1142, %select_n3A_1134 : vector<16xi1>, vector<16xf32>
    %jit3A_1145 = arith.constant 1.120000e+02 : f32
    %broadcast_in_dim3A_1146 = vector.broadcast %jit3A_1145 : f32 to vector<16xf32>
    %select_n3A_1147 = arith.select %gt3A_1143, %broadcast_in_dim3A_1146, %select_n3A_1137 : vector<16xi1>, vector<16xf32>
    %get3A_1148 = arith.constant 113 : i32
    %get3A_1149 = arith.index_cast %get3A_1148 : i32 to index
    %get3A_1150 = arith.index_cast %mul3A_32 : i32 to index
    %get3A_1151 = tpu.vector_load %arg4[%get3A_1149, %get3A_1150] {strides = array<i32>} : memref<128x64xf32, #tpu.memory_space<vmem>>, vector<1x16xf32>,
    %get3A_1152 = vector.shape_cast %get3A_1151 : vector<1x16xf32> to vector<16xf32>
    %gt3A_1153 = arith.cmpf ogt, %get3A_1152, %select_n3A_1144 : vector<16xf32>
    %select_n3A_1154 = arith.select %gt3A_1153, %get3A_1152, %select_n3A_1144 : vector<16xi1>, vector<16xf32>
    %jit3A_1155 = arith.constant 1.130000e+02 : f32
    %broadcast_in_dim3A_1156 = vector.broadcast %jit3A_1155 : f32 to vector<16xf32>
    %select_n3A_1157 = arith.select %gt3A_1153, %broadcast_in_dim3A_1156, %select_n3A_1147 : vector<16xi1>, vector<16xf32>
    %get3A_1158 = arith.constant 114 : i32
    %get3A_1159 = arith.index_cast %get3A_1158 : i32 to index
    %get3A_1160 = arith.index_cast %mul3A_32 : i32 to index
    %get3A_1161 = tpu.vector_load %arg4[%get3A_1159, %get3A_1160] {strides = array<i32>} : memref<128x64xf32, #tpu.memory_space<vmem>>, vector<1x16xf32>,
    %get3A_1162 = vector.shape_cast %get3A_1161 : vector<1x16xf32> to vector<16xf32>
    %gt3A_1163 = arith.cmpf ogt, %get3A_1162, %select_n3A_1154 : vector<16xf32>
    %select_n3A_1164 = arith.select %gt3A_1163, %get3A_1162, %select_n3A_1154 : vector<16xi1>, vector<16xf32>
    %jit3A_1165 = arith.constant 1.140000e+02 : f32
    %broadcast_in_dim3A_1166 = vector.broadcast %jit3A_1165 : f32 to vector<16xf32>
    %select_n3A_1167 = arith.select %gt3A_1163, %broadcast_in_dim3A_1166, %select_n3A_1157 : vector<16xi1>, vector<16xf32>
    %get3A_1168 = arith.constant 115 : i32
    %get3A_1169 = arith.index_cast %get3A_1168 : i32 to index
    %get3A_1170 = arith.index_cast %mul3A_32 : i32 to index
    %get3A_1171 = tpu.vector_load %arg4[%get3A_1169, %get3A_1170] {strides = array<i32>} : memref<128x64xf32, #tpu.memory_space<vmem>>, vector<1x16xf32>,
    %get3A_1172 = vector.shape_cast %get3A_1171 : vector<1x16xf32> to vector<16xf32>
    %gt3A_1173 = arith.cmpf ogt, %get3A_1172, %select_n3A_1164 : vector<16xf32>
    %select_n3A_1174 = arith.select %gt3A_1173, %get3A_1172, %select_n3A_1164 : vector<16xi1>, vector<16xf32>
    %jit3A_1175 = arith.constant 1.150000e+02 : f32
    %broadcast_in_dim3A_1176 = vector.broadcast %jit3A_1175 : f32 to vector<16xf32>
    %select_n3A_1177 = arith.select %gt3A_1173, %broadcast_in_dim3A_1176, %select_n3A_1167 : vector<16xi1>, vector<16xf32>
    %get3A_1178 = arith.constant 116 : i32
    %get3A_1179 = arith.index_cast %get3A_1178 : i32 to index
    %get3A_1180 = arith.index_cast %mul3A_32 : i32 to index
    %get3A_1181 = tpu.vector_load %arg4[%get3A_1179, %get3A_1180] {strides = array<i32>} : memref<128x64xf32, #tpu.memory_space<vmem>>, vector<1x16xf32>,
    %get3A_1182 = vector.shape_cast %get3A_1181 : vector<1x16xf32> to vector<16xf32>
    %gt3A_1183 = arith.cmpf ogt, %get3A_1182, %select_n3A_1174 : vector<16xf32>
    %select_n3A_1184 = arith.select %gt3A_1183, %get3A_1182, %select_n3A_1174 : vector<16xi1>, vector<16xf32>
    %jit3A_1185 = arith.constant 1.160000e+02 : f32
    %broadcast_in_dim3A_1186 = vector.broadcast %jit3A_1185 : f32 to vector<16xf32>
    %select_n3A_1187 = arith.select %gt3A_1183, %broadcast_in_dim3A_1186, %select_n3A_1177 : vector<16xi1>, vector<16xf32>
    %get3A_1188 = arith.constant 117 : i32
    %get3A_1189 = arith.index_cast %get3A_1188 : i32 to index
    %get3A_1190 = arith.index_cast %mul3A_32 : i32 to index
    %get3A_1191 = tpu.vector_load %arg4[%get3A_1189, %get3A_1190] {strides = array<i32>} : memref<128x64xf32, #tpu.memory_space<vmem>>, vector<1x16xf32>,
    %get3A_1192 = vector.shape_cast %get3A_1191 : vector<1x16xf32> to vector<16xf32>
    %gt3A_1193 = arith.cmpf ogt, %get3A_1192, %select_n3A_1184 : vector<16xf32>
    %select_n3A_1194 = arith.select %gt3A_1193, %get3A_1192, %select_n3A_1184 : vector<16xi1>, vector<16xf32>
    %jit3A_1195 = arith.constant 1.170000e+02 : f32
    %broadcast_in_dim3A_1196 = vector.broadcast %jit3A_1195 : f32 to vector<16xf32>
    %select_n3A_1197 = arith.select %gt3A_1193, %broadcast_in_dim3A_1196, %select_n3A_1187 : vector<16xi1>, vector<16xf32>
    %get3A_1198 = arith.constant 118 : i32
    %get3A_1199 = arith.index_cast %get3A_1198 : i32 to index
    %get3A_1200 = arith.index_cast %mul3A_32 : i32 to index
    %get3A_1201 = tpu.vector_load %arg4[%get3A_1199, %get3A_1200] {strides = array<i32>} : memref<128x64xf32, #tpu.memory_space<vmem>>, vector<1x16xf32>,
    %get3A_1202 = vector.shape_cast %get3A_1201 : vector<1x16xf32> to vector<16xf32>
    %gt3A_1203 = arith.cmpf ogt, %get3A_1202, %select_n3A_1194 : vector<16xf32>
    %select_n3A_1204 = arith.select %gt3A_1203, %get3A_1202, %select_n3A_1194 : vector<16xi1>, vector<16xf32>
    %jit3A_1205 = arith.constant 1.180000e+02 : f32
    %broadcast_in_dim3A_1206 = vector.broadcast %jit3A_1205 : f32 to vector<16xf32>
    %select_n3A_1207 = arith.select %gt3A_1203, %broadcast_in_dim3A_1206, %select_n3A_1197 : vector<16xi1>, vector<16xf32>
    %get3A_1208 = arith.constant 119 : i32
    %get3A_1209 = arith.index_cast %get3A_1208 : i32 to index
    %get3A_1210 = arith.index_cast %mul3A_32 : i32 to index
    %get3A_1211 = tpu.vector_load %arg4[%get3A_1209, %get3A_1210] {strides = array<i32>} : memref<128x64xf32, #tpu.memory_space<vmem>>, vector<1x16xf32>,
    %get3A_1212 = vector.shape_cast %get3A_1211 : vector<1x16xf32> to vector<16xf32>
    %gt3A_1213 = arith.cmpf ogt, %get3A_1212, %select_n3A_1204 : vector<16xf32>
    %select_n3A_1214 = arith.select %gt3A_1213, %get3A_1212, %select_n3A_1204 : vector<16xi1>, vector<16xf32>
    %jit3A_1215 = arith.constant 1.190000e+02 : f32
    %broadcast_in_dim3A_1216 = vector.broadcast %jit3A_1215 : f32 to vector<16xf32>
    %select_n3A_1217 = arith.select %gt3A_1213, %broadcast_in_dim3A_1216, %select_n3A_1207 : vector<16xi1>, vector<16xf32>
    %get3A_1218 = arith.constant 120 : i32
    %get3A_1219 = arith.index_cast %get3A_1218 : i32 to index
    %get3A_1220 = arith.index_cast %mul3A_32 : i32 to index
    %get3A_1221 = tpu.vector_load %arg4[%get3A_1219, %get3A_1220] {strides = array<i32>} : memref<128x64xf32, #tpu.memory_space<vmem>>, vector<1x16xf32>,
    %get3A_1222 = vector.shape_cast %get3A_1221 : vector<1x16xf32> to vector<16xf32>
    %gt3A_1223 = arith.cmpf ogt, %get3A_1222, %select_n3A_1214 : vector<16xf32>
    %select_n3A_1224 = arith.select %gt3A_1223, %get3A_1222, %select_n3A_1214 : vector<16xi1>, vector<16xf32>
    %jit3A_1225 = arith.constant 1.200000e+02 : f32
    %broadcast_in_dim3A_1226 = vector.broadcast %jit3A_1225 : f32 to vector<16xf32>
    %select_n3A_1227 = arith.select %gt3A_1223, %broadcast_in_dim3A_1226, %select_n3A_1217 : vector<16xi1>, vector<16xf32>
    %get3A_1228 = arith.constant 121 : i32
    %get3A_1229 = arith.index_cast %get3A_1228 : i32 to index
    %get3A_1230 = arith.index_cast %mul3A_32 : i32 to index
    %get3A_1231 = tpu.vector_load %arg4[%get3A_1229, %get3A_1230] {strides = array<i32>} : memref<128x64xf32, #tpu.memory_space<vmem>>, vector<1x16xf32>,
    %get3A_1232 = vector.shape_cast %get3A_1231 : vector<1x16xf32> to vector<16xf32>
    %gt3A_1233 = arith.cmpf ogt, %get3A_1232, %select_n3A_1224 : vector<16xf32>
    %select_n3A_1234 = arith.select %gt3A_1233, %get3A_1232, %select_n3A_1224 : vector<16xi1>, vector<16xf32>
    %jit3A_1235 = arith.constant 1.210000e+02 : f32
    %broadcast_in_dim3A_1236 = vector.broadcast %jit3A_1235 : f32 to vector<16xf32>
    %select_n3A_1237 = arith.select %gt3A_1233, %broadcast_in_dim3A_1236, %select_n3A_1227 : vector<16xi1>, vector<16xf32>
    %get3A_1238 = arith.constant 122 : i32
    %get3A_1239 = arith.index_cast %get3A_1238 : i32 to index
    %get3A_1240 = arith.index_cast %mul3A_32 : i32 to index
    %get3A_1241 = tpu.vector_load %arg4[%get3A_1239, %get3A_1240] {strides = array<i32>} : memref<128x64xf32, #tpu.memory_space<vmem>>, vector<1x16xf32>,
    %get3A_1242 = vector.shape_cast %get3A_1241 : vector<1x16xf32> to vector<16xf32>
    %gt3A_1243 = arith.cmpf ogt, %get3A_1242, %select_n3A_1234 : vector<16xf32>
    %select_n3A_1244 = arith.select %gt3A_1243, %get3A_1242, %select_n3A_1234 : vector<16xi1>, vector<16xf32>
    %jit3A_1245 = arith.constant 1.220000e+02 : f32
    %broadcast_in_dim3A_1246 = vector.broadcast %jit3A_1245 : f32 to vector<16xf32>
    %select_n3A_1247 = arith.select %gt3A_1243, %broadcast_in_dim3A_1246, %select_n3A_1237 : vector<16xi1>, vector<16xf32>
    %get3A_1248 = arith.constant 123 : i32
    %get3A_1249 = arith.index_cast %get3A_1248 : i32 to index
    %get3A_1250 = arith.index_cast %mul3A_32 : i32 to index
    %get3A_1251 = tpu.vector_load %arg4[%get3A_1249, %get3A_1250] {strides = array<i32>} : memref<128x64xf32, #tpu.memory_space<vmem>>, vector<1x16xf32>,
    %get3A_1252 = vector.shape_cast %get3A_1251 : vector<1x16xf32> to vector<16xf32>
    %gt3A_1253 = arith.cmpf ogt, %get3A_1252, %select_n3A_1244 : vector<16xf32>
    %select_n3A_1254 = arith.select %gt3A_1253, %get3A_1252, %select_n3A_1244 : vector<16xi1>, vector<16xf32>
    %jit3A_1255 = arith.constant 1.230000e+02 : f32
    %broadcast_in_dim3A_1256 = vector.broadcast %jit3A_1255 : f32 to vector<16xf32>
    %select_n3A_1257 = arith.select %gt3A_1253, %broadcast_in_dim3A_1256, %select_n3A_1247 : vector<16xi1>, vector<16xf32>
    %get3A_1258 = arith.constant 124 : i32
    %get3A_1259 = arith.index_cast %get3A_1258 : i32 to index
    %get3A_1260 = arith.index_cast %mul3A_32 : i32 to index
    %get3A_1261 = tpu.vector_load %arg4[%get3A_1259, %get3A_1260] {strides = array<i32>} : memref<128x64xf32, #tpu.memory_space<vmem>>, vector<1x16xf32>,
    %get3A_1262 = vector.shape_cast %get3A_1261 : vector<1x16xf32> to vector<16xf32>
    %gt3A_1263 = arith.cmpf ogt, %get3A_1262, %select_n3A_1254 : vector<16xf32>
    %select_n3A_1264 = arith.select %gt3A_1263, %get3A_1262, %select_n3A_1254 : vector<16xi1>, vector<16xf32>
    %jit3A_1265 = arith.constant 1.240000e+02 : f32
    %broadcast_in_dim3A_1266 = vector.broadcast %jit3A_1265 : f32 to vector<16xf32>
    %select_n3A_1267 = arith.select %gt3A_1263, %broadcast_in_dim3A_1266, %select_n3A_1257 : vector<16xi1>, vector<16xf32>
    %get3A_1268 = arith.constant 125 : i32
    %get3A_1269 = arith.index_cast %get3A_1268 : i32 to index
    %get3A_1270 = arith.index_cast %mul3A_32 : i32 to index
    %get3A_1271 = tpu.vector_load %arg4[%get3A_1269, %get3A_1270] {strides = array<i32>} : memref<128x64xf32, #tpu.memory_space<vmem>>, vector<1x16xf32>,
    %get3A_1272 = vector.shape_cast %get3A_1271 : vector<1x16xf32> to vector<16xf32>
    %gt3A_1273 = arith.cmpf ogt, %get3A_1272, %select_n3A_1264 : vector<16xf32>
    %select_n3A_1274 = arith.select %gt3A_1273, %get3A_1272, %select_n3A_1264 : vector<16xi1>, vector<16xf32>
    %jit3A_1275 = arith.constant 1.250000e+02 : f32
    %broadcast_in_dim3A_1276 = vector.broadcast %jit3A_1275 : f32 to vector<16xf32>
    %select_n3A_1277 = arith.select %gt3A_1273, %broadcast_in_dim3A_1276, %select_n3A_1267 : vector<16xi1>, vector<16xf32>
    %get3A_1278 = arith.constant 126 : i32
    %get3A_1279 = arith.index_cast %get3A_1278 : i32 to index
    %get3A_1280 = arith.index_cast %mul3A_32 : i32 to index
    %get3A_1281 = tpu.vector_load %arg4[%get3A_1279, %get3A_1280] {strides = array<i32>} : memref<128x64xf32, #tpu.memory_space<vmem>>, vector<1x16xf32>,
    %get3A_1282 = vector.shape_cast %get3A_1281 : vector<1x16xf32> to vector<16xf32>
    %gt3A_1283 = arith.cmpf ogt, %get3A_1282, %select_n3A_1274 : vector<16xf32>
    %select_n3A_1284 = arith.select %gt3A_1283, %get3A_1282, %select_n3A_1274 : vector<16xi1>, vector<16xf32>
    %jit3A_1285 = arith.constant 1.260000e+02 : f32
    %broadcast_in_dim3A_1286 = vector.broadcast %jit3A_1285 : f32 to vector<16xf32>
    %select_n3A_1287 = arith.select %gt3A_1283, %broadcast_in_dim3A_1286, %select_n3A_1277 : vector<16xi1>, vector<16xf32>
    %get3A_1288 = arith.constant 127 : i32
    %get3A_1289 = arith.index_cast %get3A_1288 : i32 to index
    %get3A_1290 = arith.index_cast %mul3A_32 : i32 to index
    %get3A_1291 = tpu.vector_load %arg4[%get3A_1289, %get3A_1290] {strides = array<i32>} : memref<128x64xf32, #tpu.memory_space<vmem>>, vector<1x16xf32>,
    %get3A_1292 = vector.shape_cast %get3A_1291 : vector<1x16xf32> to vector<16xf32>
    %gt3A_1293 = arith.cmpf ogt, %get3A_1292, %select_n3A_1284 : vector<16xf32>
    %select_n3A_1294 = arith.select %gt3A_1293, %get3A_1292, %select_n3A_1284 : vector<16xi1>, vector<16xf32>
    %jit3A_1295 = arith.constant 1.270000e+02 : f32
    %broadcast_in_dim3A_1296 = vector.broadcast %jit3A_1295 : f32 to vector<16xf32>
    %select_n3A_1297 = arith.select %gt3A_1293, %broadcast_in_dim3A_1296, %select_n3A_1287 : vector<16xi1>, vector<16xf32>
    %gt3A_1298 = arith.cmpf ogt, %select_n3A_660, %select_n3A_343 : vector<16xf32>
    %select_n3A_1299 = arith.select %gt3A_1298, %select_n3A_660, %select_n3A_343 : vector<16xi1>, vector<16xf32>
    %select_n3A_1300 = arith.select %gt3A_1298, %select_n3A_663, %select_n3A_346 : vector<16xi1>, vector<16xf32>
    %gt3A_1301 = arith.cmpf ogt, %select_n3A_1294, %select_n3A_977 : vector<16xf32>
    %select_n3A_1302 = arith.select %gt3A_1301, %select_n3A_1294, %select_n3A_977 : vector<16xi1>, vector<16xf32>
    %select_n3A_1303 = arith.select %gt3A_1301, %select_n3A_1297, %select_n3A_980 : vector<16xi1>, vector<16xf32>
    %gt3A_1304 = arith.cmpf ogt, %select_n3A_1302, %select_n3A_1299 : vector<16xf32>
    %select_n3A_1305 = arith.select %gt3A_1304, %select_n3A_1303, %select_n3A_1300 : vector<16xi1>, vector<16xf32>
    %swap3A = arith.constant 0 : index
    %swap3A_1306 = tpu.vector_load %arg5[%swap3A] {strides = array<i32>} : memref<16xf32, #tpu.memory_space<vmem>>, vector<16xf32>,
    %swap3A_1307 = vector.shape_cast %swap3A_1306 : vector<16xf32> to vector<16xf32>
    %swap3A_1308 = vector.shape_cast %select_n3A_1305 : vector<16xf32> to vector<16xf32>
    tpu.vector_store %arg5[%swap3A], %swap3A_1308 {strides = array<i32>} : memref<16xf32, #tpu.memory_space<vmem>>, vector<16xf32>,
    "tpu.region"() ({
      %run_scoped3A = tpu.sem_alloc : memref<!tpu.dma_semaphore, #tpu.memory_space<semaphore_mem>>
      %dma_start3A = arith.constant 0 : i32
      %dma_start3A_1309 = tpu.memref_slice %arg3[%add3A, %dma_start3A] : memref<32x16xf32, #tpu.memory_space<hbm>> -> memref<1x16xf32, #tpu.memory_space<hbm>>
      %dma_start3A_1310 = tpu.memref_squeeze %dma_start3A_1309 : memref<1x16xf32, #tpu.memory_space<hbm>> -> memref<16xf32, #tpu.memory_space<hbm>>
      %dma_start3A_1311 = arith.constant 0 : i32
      %dma_start3A_1312 = tpu.memref_slice %arg3[%add3A, %dma_start3A_1311] : memref<32x16xf32, #tpu.memory_space<hbm>> -> memref<1x16xf32, #tpu.memory_space<hbm>>
      %dma_start3A_1313 = tpu.memref_squeeze %dma_start3A_1312 : memref<1x16xf32, #tpu.memory_space<hbm>> -> memref<16xf32, #tpu.memory_space<hbm>>
      tpu.enqueue_dma source(%arg5 : memref<16xf32, #tpu.memory_space<vmem>>) target(%dma_start3A_1313 : memref<16xf32, #tpu.memory_space<hbm>>) target_semaphore(%run_scoped3A : memref<!tpu.dma_semaphore, #tpu.memory_space<semaphore_mem>>)
      %dma_wait3A = arith.constant 0 : i32
      %dma_wait3A_1314 = tpu.memref_slice %arg3[%add3A, %dma_wait3A] : memref<32x16xf32, #tpu.memory_space<hbm>> -> memref<1x16xf32, #tpu.memory_space<hbm>>
      %dma_wait3A_1315 = tpu.memref_squeeze %dma_wait3A_1314 : memref<1x16xf32, #tpu.memory_space<hbm>> -> memref<16xf32, #tpu.memory_space<hbm>>
      %dma_wait3A_1316 = arith.constant 0 : i32
      %dma_wait3A_1317 = tpu.memref_slice %arg3[%add3A, %dma_wait3A_1316] : memref<32x16xf32, #tpu.memory_space<hbm>> -> memref<1x16xf32, #tpu.memory_space<hbm>>
      %dma_wait3A_1318 = tpu.memref_squeeze %dma_wait3A_1317 : memref<1x16xf32, #tpu.memory_space<hbm>> -> memref<16xf32, #tpu.memory_space<hbm>>
      tpu.wait_dma2 semaphore(%run_scoped3A : memref<!tpu.dma_semaphore, #tpu.memory_space<semaphore_mem>>) src(%arg5 : memref<16xf32, #tpu.memory_space<vmem>>) dst(%dma_wait3A_1318 : memref<16xf32, #tpu.memory_space<hbm>>)
      tpu.yield
    }) : () -> ()
    return
  }
}

module attributes {stable_mosaic.version = 14 : i64} {
  func.func @_tc_s_body(%arg0: memref<8x128x64xf32, #tpu.memory_space<vmem>>, %arg1: memref<128xf32, #tpu.memory_space<vmem>>) attributes {dimension_semantics = [], scalar_prefetch = 0 : i64, scratch_operands = 0 : i64, tpu.core_type = #tpu.core_type<tc>} {
    %get3A = arith.constant 0 : index
    %get3A_0 = arith.constant 0 : index
    %get3A_1 = arith.constant 0 : index
    %get3A_2 = vector.load %arg0[%get3A, %get3A_0, %get3A_1] : memref<8x128x64xf32, #tpu.memory_space<vmem>>, vector<8x128x64xf32>
    %reduce_sum3A = arith.constant dense<0.000000e+00> : vector<128xf32>
    %reduce_sum3A_3 = vector.multi_reduction <add>, %get3A_2, %reduce_sum3A [0, 2] : vector<8x128x64xf32> to vector<128xf32>
    %swap3A = arith.constant 0 : index
    %swap3A_4 = vector.load %arg1[%swap3A] : memref<128xf32, #tpu.memory_space<vmem>>, vector<128xf32>
    tpu.vector_store %arg1[%swap3A], %reduce_sum3A_3 {strides = array<i32>} : memref<128xf32, #tpu.memory_space<vmem>>, vector<128xf32>,
    return
  }
}

module attributes {stable_mosaic.version = 14 : i64} {
  func.func @_tc_dot_body(%arg0: memref<128xf32, #tpu.memory_space<vmem>>, %arg1: memref<32x16xf32, #tpu.memory_space<vmem>>, %arg2: memref<1xf32, #tpu.memory_space<smem>>) attributes {dimension_semantics = [], scalar_prefetch = 0 : i64, scratch_operands = 0 : i64, tpu.core_type = #tpu.core_type<tc>} {
    %get3A = arith.constant 0 : index
    %get3A_0 = arith.constant 0 : index
    %get3A_1 = vector.load %arg1[%get3A, %get3A_0] : memref<32x16xf32, #tpu.memory_space<vmem>>, vector<32x16xf32>
    %broadcast_in_dim3A = vector.shape_cast %get3A_1 : vector<32x16xf32> to vector<32x16x1xf32>
    %iota3A = tpu.iota {dimensions = array<i32: 2>} : vector<32x16x128xi32>
    %convert_element_type3A = arith.sitofp %iota3A : vector<32x16x128xi32> to vector<32x16x128xf32>
    %sub3A = vector.broadcast %broadcast_in_dim3A : vector<32x16x1xf32> to vector<32x16x128xf32>
    %sub3A_2 = arith.subf %sub3A, %convert_element_type3A : vector<32x16x128xf32>
    %abs3A = math.absf %sub3A_2 : vector<32x16x128xf32>
    %reduce_sum3A = arith.constant dense<0.000000e+00> : vector<128xf32>
    %reduce_sum3A_3 = vector.multi_reduction <add>, %abs3A, %reduce_sum3A [0, 1] : vector<32x16x128xf32> to vector<128xf32>
    %get3A_4 = arith.constant 0 : index
    %get3A_5 = vector.load %arg0[%get3A_4] : memref<128xf32, #tpu.memory_space<vmem>>, vector<128xf32>
    %mul3A = arith.mulf %get3A_5, %reduce_sum3A_3 : vector<128xf32>
    %reduce_sum3A_6 = vector.shape_cast %mul3A : vector<128xf32> to vector<1x128xf32>
    %reduce_sum3A_7 = arith.constant dense<0.000000e+00> : vector<1xf32>
    %reduce_sum3A_8 = vector.multi_reduction <add>, %reduce_sum3A_6, %reduce_sum3A_7 [1] : vector<1x128xf32> to vector<1xf32>
    %reduce_sum3A_9 = vector.shape_cast %reduce_sum3A_8 : vector<1xf32> to vector<1x1xf32>
    %reduce_sum3A_10 = vector.extract %reduce_sum3A_9[0, 0] : f32 from vector<1x1xf32>
    %mul3A_11 = arith.constant 1.52587891E-5 : f32
    %mul3A_12 = arith.mulf %reduce_sum3A_10, %mul3A_11 : f32
    %swap3A = arith.constant 0 : index
    %swap3A_13 = memref.load %arg2[%swap3A] : memref<1xf32, #tpu.memory_space<smem>>
    memref.store %mul3A_12, %arg2[%swap3A] : memref<1xf32, #tpu.memory_space<smem>>
    return
  }
}

</mosaic_0001>

<sc_bundles>
// kernel: _wasserstein.5.cloned.1.call-start
scs
__scs_entry_jumppad:
0x0: {  	(pc) =	sbr.rel $0x88, $3  }
0x1: {  	(tag) =	ssettag $0x0;
	lr =	simm.s32 $0x1  }
0x2: {  	[smem:$0x3F9F] =	sst lr;
	_ =	strace $0xD0000000  }
0x3: {  	_ = 	snop  }
0x4: {  	_ = 	snop  }
0x5: {  	_ = 	snop  }
0x6: {  	_ = 	snop  }
0x7: {  	_ = 	snop  }
__scs_overlays_trampoline_lowered:
0x8: {  	[smem:$0x3FAE] =	sst s0  }
0x9: {  	[smem:$0x3FAF] =	sst s1  }
0xa: {  	[smem:$0x3FB0] =	sst s2  }
0xb: {  	[smem:$0x3FB1] =	sst s3  }
0xc: {  	[smem:$0x3FB2] =	sst s4  }
0xd: {  	[smem:$0x3FB3] =	sst s5  }
0xe: {  	[smem:$0x3FB4] =	sst s6  }
0xf: {  	[smem:$0x3FB5] =	sst s7  }
0x10: {  	[smem:$0x3FB6] =	sst s8  }
0x11: {  	[smem:$0x3FB7] =	sst s9;
	s0 =	simm.s32 @!p0 $0x0  }
0x12: {  	s1 =	sld [smem:$0x3F9D];
	s0 =	simm.s32 @p0 $0x1  }
0x13: {  	[smem:$0x3FB8] =	sst s0;
	s0 =	simm.s32 @!p1 $0x0  }
0x14: {  	s2 =	sld [smem:$0x3F9C];
	s0 =	simm.s32 @p1 $0x1  }
0x15: {  	[smem:$0x3FB9] =	sst s0;
	s0 =	simm.s32 @!p2 $0x0  }
0x16: {  	s3 =	sld [smem:$0x3FDB];
	s0 =	simm.s32 @p2 $0x1  }
0x17: {  	s4 =	simm.s32 $0x1BF5;
	[smem:$0x3FBB] =	sst s0  }
0x18: {  	s0 =	sld [smem:$0x3F9E];
	_ =	swait.ge [sflag:s4], $0x0  }
0x19: {  	s7 =	sld [smem:$0x3F9F]  }
0x1a: {  	s8 =	sadd.s32 $0xFFFFE003, lr  }
0x1b: {  	s9 =	sadd.s32 $0xFFFFFEF7, lr;
	s5 =	simm.s32 $0xFFFFFFFF;
	p2 =	slt.u32 s8, $0xFFFFF086  }
0x1c: {  	p1 =	slt.u32 s9, $0xF7A;
	s5 =	simm.s32 @!p2 $0x0  }
0x1d: {  	s5 =	simm.s32 @p1 $0x1;
	p0 =	seq.s32 s7, s2  }
0x1e: {  	s7 =	smul.u32 @!p0 $0xF7A, s2;
	p2 =	seq.s32 @!p0 s5, $0x0  }
0x1f: {  	s9 =	smul.u32 $0xF7A, s1;
	s8 =	simm.s32 @!p0 $0x1BF5;
	p2 =	por !p2, p0  }
0x20: {  	[sflag:s8] =	ssyncset.s32 @!p0 $0xFFFFF086;
	s6 =	sadd.s32 @!p0 s3, s7;
	s7 =	simm.s32 @!p0 $0x108  }
0x21: {  	s3 =	sadd.s32 s3, s9;
	s6 =	sadd.s32 @!p0 $0x88, s6;
	s7 =	simm.s32 @p2 $0x1082  }
0x22: {  	[simem:s7], [sflag:s8] =	dma.local @!p0 [hbm:s6], $0xF7A  }
0x23: {  	s9 =	sor.u32 $0xD0000000, s2;
	s6 =	simm.s32 $0x108;
	_ =	swait.ge @!p0 [sflag:s8], $0x0  }
0x24: {  	s3 =	sadd.s32 $0x88, s3;
	s6 =	simm.s32 @!p1 $0x1082;
	[sflag:s4] =	ssyncset.s32 $0xFFFFF086  }
0x25: {  	[simem:s6], [sflag:s4] =	dma.local [hbm:s3], $0xF7A  }
0x26: {  	[smem:$0x3F9F] =	sst s1;
	(tag) =	ssettag s2;
	_ =	strace s9  }
0x27: {  	s1 =	sld [smem:$0x3FAF]  }
0x28: {  	s2 =	sld [smem:$0x3FB0]  }
0x29: {  	s4 =	sld [smem:$0x3FB2]  }
0x2a: {  	p0 =	seq.s32 s5, $0x0;
	s5 =	sld [smem:$0x3FB3]  }
0x2b: {  	s6 =	sld [smem:$0x3FB4]  }
0x2c: {  	s7 =	sld [smem:$0x3FB5]  }
0x2d: {  	s3 =	simm.s32 $0x108;
	s8 =	sld [smem:$0x3FB6]  }
0x2e: {  	s3 =	simm.s32 @!p0 $0x1082;
	s9 =	sld [smem:$0x3FB7]  }
0x2f: {  	lr =	sadd.s32 s0, s3;
	s0 =	sld [smem:$0x3FAE]  }
0x30: {  	s3 =	sld [smem:$0x3FB1]  }
0x31: {  	[smem:$0x3FBA] =	sst s10  }
0x32: {  	s10 =	sld [smem:$0x3FB8];
	_ =	sdelay $0x3  }
0x33: {  	p0 =	seq.s32 s10, $0x1;
	s10 =	sld [smem:$0x3FBA];
	_ =	sdelay $0x3  }
0x34: {  	[smem:$0x3FBA] =	sst s10  }
0x35: {  	s10 =	sld [smem:$0x3FB9];
	_ =	sdelay $0x3  }
0x36: {  	p1 =	seq.s32 s10, $0x1;
	s10 =	sld [smem:$0x3FBA];
	_ =	sdelay $0x3  }
0x37: {  	[smem:$0x3FBA] =	sst s10  }
0x38: {  	s10 =	sld [smem:$0x3FBB]  }
0x39: {  	_ = 	snop;
	(pc) =	sbr.ind lr, $3  }
0x3a: {  	_ = 	snop  }
0x3b: {  	_ = 	snop  }
0x3c: {  	p2 =	seq.s32 s10, $0x1;
	s10 =	sld [smem:$0x3FBA]  }
0x3d: {  	_ =	shalt  }
0x3e: {  	_ =	shalt  }
0x3f: {  	_ =	shalt  }
0x40: {  	_ =	shalt  }
0x41: {  	_ =	shalt  }
0x42: {  	_ =	shalt  }
0x43: {  	_ =	shalt  }
0x44: {  	_ =	shalt  }
0x45: {  	_ =	shalt  }
0x46: {  	_ =	shalt  }
0x47: {  	_ =	shalt  }
0x48: {  	_ =	shalt  }
0x49: {  	_ =	shalt  }
0x4a: {  	_ =	shalt  }
0x4b: {  	_ =	shalt  }
0x4c: {  	_ =	shalt  }
0x4d: {  	_ =	shalt  }
0x4e: {  	_ =	shalt  }
0x4f: {  	_ =	shalt  }
0x50: {  	_ =	shalt  }
0x51: {  	_ =	shalt  }
0x52: {  	_ =	shalt  }
0x53: {  	_ =	shalt  }
0x54: {  	_ =	shalt  }
0x55: {  	_ =	shalt  }
0x56: {  	_ =	shalt  }
0x57: {  	_ =	shalt  }
0x58: {  	_ =	shalt  }
0x59: {  	_ =	shalt  }
0x5a: {  	_ =	shalt  }
0x5b: {  	_ =	shalt  }
0x5c: {  	_ =	shalt  }
0x5d: {  	_ =	shalt  }
0x5e: {  	_ =	shalt  }
0x5f: {  	_ =	shalt  }
0x60: {  	_ =	shalt  }
0x61: {  	_ =	shalt  }
0x62: {  	_ =	shalt  }
0x63: {  	_ =	shalt  }
0x64: {  	_ =	shalt  }
0x65: {  	_ =	shalt  }
0x66: {  	_ =	shalt  }
0x67: {  	_ =	shalt  }
0x68: {  	_ =	shalt  }
0x69: {  	_ =	shalt  }
0x6a: {  	_ =	shalt  }
0x6b: {  	_ =	shalt  }
0x6c: {  	_ =	shalt  }
0x6d: {  	_ =	shalt  }
0x6e: {  	_ =	shalt  }
0x6f: {  	_ =	shalt  }
0x70: {  	_ =	shalt  }
0x71: {  	_ =	shalt  }
0x72: {  	_ =	shalt  }
0x73: {  	_ =	shalt  }
0x74: {  	_ =	shalt  }
0x75: {  	_ =	shalt  }
0x76: {  	_ =	shalt  }
0x77: {  	_ =	shalt  }
0x78: {  	_ =	shalt  }
0x79: {  	_ =	shalt  }
0x7a: {  	_ =	shalt  }
0x7b: {  	_ =	shalt  }
0x7c: {  	_ =	shalt  }
0x7d: {  	_ =	shalt  }
0x7e: {  	_ =	shalt  }
0x7f: {  	_ =	shalt  }
0x80: {  	_ =	shalt  }
0x81: {  	_ =	shalt  }
0x82: {  	_ =	shalt  }
0x83: {  	_ =	shalt  }
0x84: {  	_ =	shalt  }
0x85: {  	_ =	shalt  }
0x86: {  	_ =	shalt  }
0x87: {  	_ =	shalt  }
.Lfunc_end0:
.L_simem_size_0:
called_computation_lowered:
.L_overlay_start_0:
0x88: {  	s2 =	sld [smem:$0x3FD9]  }
0x89: {  	s3 =	sld [smem:$0x3FFE];
	_ =	sdelay $0x1  }
0x8a: {  	s1 =	srdreg.scid  }
0x8b: {  	s0 =	sand.u32 $0x1, s1  }
0x8c: {  	s16 =	sshll.u32 s0, $0xA;
	s2 =	sadd.s32 s3, s2  }
0x8d: {  	s2 =	sadd.s32 s2, s16  }
0x8e: {  	[smem:$0x3FC6] =	sst s2  }
0x8f: {  	_ = 	snop  }
0x90: {  	(tm) =	ssettm $0x1  }
0x91: {  	s17 =	sld [smem:$0x3FFB];
	_ =	sdelay $0x3  }
0x92: {  	_ =	strace s17  }
0x93: {  	s2 =	sld [smem:$0x3FFC];
	_ =	sdelay $0x3  }
0x94: {  	_ =	strace s2  }
0x95: {  	s2 =	sld [smem:$0x3FFD];
	_ =	sdelay $0x3  }
0x96: {  	_ =	strace s2  }
0x97: {  	_ =	strace $0x8FFFFFFF  }
0x98: {  	s18 =	sld [smem:$0x3FDB];
	_ =	sdelay $0x1  }
0x99: {  	s19 =	simm.s32 $_scs_section_size  }
0x9a: {  	s4 =	simm.s32 $_size__tile_overlayer_lowered;
	s5 =	simm.s32 $_tile_overlayer_lowered  }
0x9b: {  	s22 =	simm.s32 $0x1BFF;
	s21 =	sshll.u32 s5, $0x1;
	s2 =	sadd.s32 s19, s18  }
0x9c: {  	s6 =	simm.s32 $0x0;
	s20 =	sshll.u32 s4, $0x1;
	s4 =	sadd.s32 s21, s2  }
0x9d: {  	[timem:s6], [sflag:s22] =	dma.local [hbm:s4], s20  }
0x9e: {  	_ =	swait.ge [sflag:s22], s20  }
0x9f: {  	s3 =	ssub.s32 $0x0, s20;
	[sflag:s22] =	ssyncset.done $0x0  }
0xa0: {  	[sflag:s22] =	ssyncadd.s32 s3;
	_ =	sdelay $0x1  }
0xa1: {  	s23 =	simm.s32 $0x1B8B  }
0xa2: {  	_ =	swait.ge [sflag:s23], $0x1  }
0xa3: {  	[sflag:s23] =	ssyncset.done $0x0  }
0xa4: {  	s25 =	simm.s32 $0x1B8E;
	s24 =	sld [smem:$0x3FFE];
	[sflag:s23] =	ssyncadd.s32 $0xFFFFFFFF  }
0xa5: {  	s26 =	simm.s32 $execute0_lowered;
	[smem:$0x3FD2] =	sst s25  }
0xa6: {  	s4 =	sshll.u32 s26, $0x1;
	_ =	strace $0x80000046;
	[dreg:$0x1] =	wrdreg $0xFFFFFFFF  }
0xa7: {  	s28 =	simm.s32 $_size_execute0_lowered;
	s2 =	sadd.s32 s2, s4;
	[dreg:$0x0] =	wrdreg $0x0  }
0xa8: {  	s4 =	sshll.u32 s28, $0x1;
	[dreg:$0x2] =	wrdreg s2  }
0xa9: {  	[dreg:$0x3] =	wrdreg s4  }
0xaa: {  	[dreg:$0x4] =	wrdreg $0xC0  }
0xab: {  	_ =	task [dreg:s6], $0x5FFFF  }
0xac: {  	[dreg:$0x1] =	wrdreg $0xFFFFFFFF  }
0xad: {  	[dreg:$0x0] =	wrdreg $0x60  }
0xae: {  	[dreg:$0x2] =	wrdreg s24  }
0xaf: {  	[dreg:$0x3] =	wrdreg $0x9  }
0xb0: {  	_ =	task.clear_ibuf [dreg:s6], $0x4FFFF;
	_ =	strace $0x90000046  }
0xb1: {  	s29 =	simm.s32 $0x9;
	_ =	strace $0x80000048  }
0xb2: {  	_ =	swait.ge [sflag:s29], $0x1  }
0xb3: {  	[sflag:s29] =	ssyncadd.s32 $0xFFFFFFFF  }
0xb4: {  	_ =	strace $0x90000048  }
0xb5: {  	_ =	sfence  }
0xb6: {  	s30 =	sld [smem:$0x0];
	_ =	sdelay $0x2  }
0xb7: {  	s31 =	sshll.u32 s1, $0xD;
	s1 =	sshrl.u32 s1, $0x2  }
0xb8: {  	s3 =	sand.u32 $0x4000, s31;
	s1 =	sadd.s32 s1, s30  }
0xb9: {  	s0 =	sor.u32 s3, s0;
	s1 =	sshll.u32 s1, $0x11  }
0xba: {  	s0 =	sor.u32 s1, s0  }
0xbb: {  	s0 =	sadd.s32 $0x8F2B, s0  }
0xbc: {  	[sflag:s0] =	ssyncadd.remote.s32 $0x1  }
0xbd: {  	_ =	sfence.sel $0xFFFF  }
0xbe: {  	[dreg:$0x0] =	wrdreg $0xFFFFFFFF;
	(pc) =	sbr.abs _section_cstart, $3  }
0xbf: {  	[dreg:$0x1] =	wrdreg $0xFFFFFFFF  }
0xc0: {  	_ =	task.clear_ibuf [dreg:s6], $0x2FFFF;
	_ =	strace $0x9FFFFFFF  }
0xc1: {  	(tm) =	ssettm $0x7FFFFFFF  }
tec
execute0_lowered:
.L_overlay_start_1:
0x0: {  	(tag) =	ssettag $0x1  }
0x1: {  	s0 =	srdreg.scid  }
0x2: {  	s3 =	sand.u32 $0x1, s0  }
0x3: {  	s0 =	stileid.u32;
	s1 =	sshll.u32 s3, $0x4  }
0x4: {  	s7 =	rddreg [dreg:$0x0];
	s5 =	sand.u32 $0x3, s0;
	s4 =	sor.u32 s0, s1  }
0x5: {  	s2 =	simm.s32 $0x0;
	p1 =	sne.s32 s5, $0x0;
	p0 =	seq.s32 s4, $0x0  }
0x6: {  	s6 =	simm.s32 $0x1;
	[smem:$0x7FF] =	sst s2;
	p0 =	por !p1, !p0  }
0x7: {  	s28 =	sshll.u32 s0, $0x4;
	s9 =	ssub.s32 $0x2, s3;
	p0 =	por !p0, !p0  }
0x8: {  	s3 =	simm.s32 $0x1;
	s8 =	sshrl.u32 s4, $0x2;
	s6 =	simm.s32 @!p0 $0x0  }
0x9: {  	s1 =	rddreg [dreg:$0x1];
	_ =	strace $0x80000047;
	s6 =	ssub.s32 s8, s6  }
0xa: {  	s29 =	sshrl.u32 s9, $0x1;
	s5 =	sshll.u32 s5, $0x4;
	s6 =	sshll.u32 s6, $0xB  }
0xb: {  	s4 =	sshll.u32 s4, $0x4;
	s8 =	sand.u32 $0x70, s28;
	s6 =	sand.u32 $0x1FFFF800, s6  }
0xc: {  	s30 =	sand.u32 $0x180, s4;
	s6 =	sadd.s32 s6, s7;
	s7 =	sadd.s32 s8, s7  }
0xd: {  	v0 =	vimm.f32 $0.0e+00;
	s8 =	ssub.s32 s9, s29;
	s4 =	sadd.s32 $0x800, s6;
	s31 =	sadd.s32 s30, s7  }
0xe: {  	v1 =	vimm.f32 $3.200000000e+01;
	v2 =	vimm.f32 $6.400000000e+01;
	v3 =	vimm.f32 $9.600000000e+01;
	s7 =	smax.u32 s8, $0x1;
	s8 =	simm.s32 $0x4000;
	s6 =	sadd.s32 $0x4800, s31  }
.LBB2_1:
0xf: {  	[tilespmem:s2], [sflag:$0x1] =	stream.linear.gather [hbm4b:s4+s2], $0x4000, $0x38;
	[tilespmem:$0x4080] =	vst v63  }
0x10: {  	_ =	swait.ge [sflag:s3], $0x4000  }
0x11: {  	[sflag:s3] =	ssyncset.done $0x0  }
0x12: {  	[sflag:s3] =	ssyncadd.s32 $0xFFFFC000  }
0x13: {  	v4 =	vld [tilespmem:s5+$0x0]  }
0x14: {  	v5 =	vld [tilespmem:s5+$0x80];
	_ =	sdelay $0x1  }
0x15: {  	v6 =	vld [tilespmem:s5+$0x100];
	_ =	sdelay $0x1  }
0x16: {  	v7 =	vld [tilespmem:s5+$0x180]  }
0x17: {  	vm7 =	vgt.f32 v5, v4  }
0x18: {  	v4 =	vsel vm7, v5, v4;
	v5 =	vld [tilespmem:s5+$0x200]  }
0x19: {  	v58 =	vld [tilespmem:s5+$0x280];
	vm5 =	vgt.f32 v6, v4  }
0x1a: {  	v59 =	vld [tilespmem:s5+$0x300];
	v4 =	vsel vm5, v6, v4  }
0x1b: {  	v8 =	vld [tilespmem:s5+$0x400];
	vm6 =	vgt.f32 v7, v4  }
0x1c: {  	v60 =	vld [tilespmem:s5+$0x480];
	v4 =	vsel vm6, v7, v4  }
0x1d: {  	v9 =	vld [tilespmem:s5+$0x500];
	vm3 =	vgt.f32 v5, v4  }
0x1e: {  	v4 =	vsel vm3, v5, v4;
	v5 =	vld [tilespmem:s5+$0x380]  }
0x1f: {  	v61 =	vld [tilespmem:s5+$0x580];
	vm4 =	vgt.f32 v58, v4  }
0x20: {  	v10 =	vld [tilespmem:s5+$0x600];
	v4 =	vsel vm4, v58, v4  }
0x21: {  	v11 =	vld [tilespmem:s5+$0x1080];
	vm1 =	vgt.f32 v59, v4  }
0x22: {  	v62 =	vld [tilespmem:s5+$0x680];
	v4 =	vsel vm1, v59, v4  }
0x23: {  	v12 =	vld [tilespmem:s5+$0x1100];
	vm2 =	vgt.f32 v5, v4  }
0x24: {  	v4 =	vsel vm2, v5, v4;
	v5 =	vld [tilespmem:s5+$0x1000]  }
0x25: {  	v63 =	vld [tilespmem:s5+$0x700];
	vm8 =	vgt.f32 v8, v4  }
0x26: {  	v13 =	vld [tilespmem:s5+$0x1180];
	v4 =	vsel vm8, v8, v4  }
0x27: {  	v16 =	vld [tilespmem:s5+$0x780];
	vm9 =	vgt.f32 v60, v4  }
0x28: {  	v14 =	vimm.s32 $0x0;
	v19 =	vimm.s32 $0x0;
	v17 =	vld [tilespmem:s5+$0x1200];
	v4 =	vsel vm9, v60, v4  }
0x29: {  	v22 =	vimm.s32 $0x0;
	v18 =	vld [tilespmem:s5+$0x800];
	vm10 =	vgt.f32 v9, v4;
	vm0 =	vgt.f32 v11, v5  }
0x2a: {  	v25 =	vimm.s32 $0x0;
	v20 =	vld [tilespmem:s5+$0x1280];
	v4 =	vsel vm10, v9, v4;
	v5 =	vsel vm0, v11, v5  }
0x2b: {  	v21 =	vld [tilespmem:s5+$0x880];
	v14 =	vsel vm0, $0xFFFFFFFF, v14;
	vm11 =	vgt.f32 v61, v4;
	vm0 =	vgt.f32 v12, v5  }
0x2c: {  	v28 =	vimm.s32 $0x0;
	v23 =	vld [tilespmem:s5+$0x1300];
	v4 =	vsel vm11, v61, v4;
	v5 =	vsel vm0, v12, v5  }
0x2d: {  	v24 =	vld [tilespmem:s5+$0x900];
	[tilespmem:$0x1FF50] =	vst v14;
	v14 =	vsel vm0, $0xFFFFFFFF, v19;
	vm12 =	vgt.f32 v10, v4;
	vm0 =	vgt.f32 v13, v5  }
0x2e: {  	v15 =	vimm.s32 $0x0;
	v26 =	vld [tilespmem:s5+$0x1380];
	v4 =	vsel vm12, v10, v4;
	v5 =	vsel vm0, v13, v5  }
0x2f: {  	v27 =	vld [tilespmem:s5+$0x980];
	[tilespmem:$0x1FF60] =	vst v14;
	v14 =	vsel vm0, $0xFFFFFFFF, v22;
	vm13 =	vgt.f32 v62, v4;
	vm0 =	vgt.f32 v17, v5  }
0x30: {  	v30 =	vld [tilespmem:s5+$0x1400];
	v29 =	vsel vm7, $0x3F800000, v0;
	v4 =	vsel vm13, v62, v4;
	v5 =	vsel vm0, v17, v5  }
0x31: {  	v31 =	vld [tilespmem:s5+$0xA00];
	[tilespmem:$0x1FF70] =	vst v14;
	v14 =	vsel vm0, $0xFFFFFFFF, v25;
	vm14 =	vgt.f32 v63, v4;
	vm0 =	vgt.f32 v20, v5  }
0x32: {  	v32 =	vld [tilespmem:s5+$0x1480];
	[tilespmem:$0x1FF80] =	vst v14;
	v4 =	vsel vm14, v63, v4;
	v14 =	vsel vm0, $0xFFFFFFFF, v28;
	v5 =	vsel vm0, v20, v5  }
0x33: {  	v33 =	vld [tilespmem:s5+$0xA80];
	[tilespmem:$0x1FF90] =	vst v14;
	vm15 =	vgt.f32 v16, v4;
	v14 =	vsel vm5, $0x40000000, v29;
	vm0 =	vgt.f32 v23, v5  }
0x34: {  	v34 =	vld [tilespmem:s5+$0x1500];
	v4 =	vsel vm15, v16, v4;
	v15 =	vsel vm0, $0xFFFFFFFF, v15;
	v14 =	vsel vm6, $0x40400000, v14  }
0x35: {  	v35 =	vld [tilespmem:s5+$0xB00];
	v5 =	vsel vm0, v23, v5;
	vm0 =	vgt.f32 v18, v4;
	v14 =	vsel vm3, $0x40800000, v14  }
0x36: {  	v36 =	vld [tilespmem:s5+$0x1580];
	vm5 =	vgt.f32 v26, v5;
	v4 =	vsel vm0, v18, v4;
	v14 =	vsel vm4, $0x40A00000, v14  }
0x37: {  	v37 =	vld [tilespmem:s5+$0xB80];
	v5 =	vsel vm5, v26, v5;
	v18 =	vimm.s32 $0x0;
	vm3 =	vgt.f32 v21, v4  }
0x38: {  	v38 =	vld [tilespmem:s5+$0x1600];
	v14 =	vsel vm1, $0x40C00000, v14;
	vm7 =	vgt.f32 v30, v5;
	v4 =	vsel vm3, v21, v4  }
0x39: {  	v39 =	vld [tilespmem:s5+$0xC00];
	v14 =	vsel vm2, $0x40E00000, v14;
	v5 =	vsel vm7, v30, v5;
	vm1 =	vgt.f32 v24, v4  }
0x3a: {  	v40 =	vld [tilespmem:s5+$0x1680];
	v14 =	vsel vm8, $0x41000000, v14;
	vm8 =	vgt.f32 v32, v5;
	v4 =	vsel vm1, v24, v4  }
0x3b: {  	v41 =	vld [tilespmem:s5+$0xC80];
	v14 =	vsel vm9, $0x41100000, v14;
	v5 =	vsel vm8, v32, v5;
	vm2 =	vgt.f32 v27, v4  }
0x3c: {  	v42 =	vld [tilespmem:s5+$0x1700];
	v14 =	vsel vm10, $0x41200000, v14;
	vm9 =	vgt.f32 v34, v5;
	v4 =	vsel vm2, v27, v4  }
0x3d: {  	v43 =	vld [tilespmem:s5+$0xD00];
	v14 =	vsel vm11, $0x41300000, v14;
	v5 =	vsel vm9, v34, v5;
	vm4 =	vgt.f32 v31, v4  }
0x3e: {  	v44 =	vld [tilespmem:s5+$0x1780];
	v14 =	vsel vm12, $0x41400000, v14;
	vm6 =	vgt.f32 v36, v5;
	v4 =	vsel vm4, v31, v4  }
0x3f: {  	v45 =	vld [tilespmem:s5+$0xD80];
	v14 =	vsel vm13, $0x41500000, v14;
	v5 =	vsel vm6, v36, v5;
	vm10 =	vgt.f32 v33, v4  }
0x40: {  	v46 =	vld [tilespmem:s5+$0x1800];
	v14 =	vsel vm14, $0x41600000, v14;
	vm11 =	vgt.f32 v38, v5;
	v4 =	vsel vm10, v33, v4  }
0x41: {  	v47 =	vld [tilespmem:s5+$0xE00];
	v14 =	vsel vm15, $0x41700000, v14;
	v5 =	vsel vm11, v38, v5;
	vm12 =	vgt.f32 v35, v4  }
0x42: {  	v48 =	vld [tilespmem:s5+$0x1880];
	v14 =	vsel vm0, $0x41800000, v14;
	vm0 =	vgt.f32 v40, v5;
	v4 =	vsel vm12, v35, v4  }
0x43: {  	v49 =	vld [tilespmem:s5+$0xE80];
	v14 =	vsel vm3, $0x41880000, v14;
	v5 =	vsel vm0, v40, v5;
	vm3 =	vgt.f32 v37, v4  }
0x44: {  	v50 =	vld [tilespmem:s5+$0x1900];
	v14 =	vsel vm1, $0x41900000, v14;
	vm13 =	vgt.f32 v42, v5;
	v4 =	vsel vm3, v37, v4  }
0x45: {  	v51 =	vld [tilespmem:s5+$0xF00];
	v14 =	vsel vm2, $0x41980000, v14;
	v5 =	vsel vm13, v42, v5;
	vm1 =	vgt.f32 v39, v4  }
0x46: {  	v52 =	vld [tilespmem:s5+$0x1980];
	v14 =	vsel vm4, $0x41A00000, v14;
	vm14 =	vgt.f32 v44, v5;
	v4 =	vsel vm1, v39, v4  }
0x47: {  	v53 =	vld [tilespmem:s5+$0xF80];
	v14 =	vsel vm10, $0x41A80000, v14;
	v5 =	vsel vm14, v44, v5;
	v44 =	vimm.s32 $0x0  }
0x48: {  	v54 =	vld [tilespmem:s5+$0x1A00];
	vm10 =	vgt.f32 v41, v4;
	v14 =	vsel vm12, $0x41B00000, v14;
	vm15 =	vgt.f32 v46, v5  }
0x49: {  	v57 =	vld [tilespmem:$0x1FF50];
	v4 =	vsel vm10, v41, v4;
	v14 =	vsel vm3, $0x41B80000, v14;
	v5 =	vsel vm15, v46, v5  }
0x4a: {  	v60 =	vld [tilespmem:$0x1FF70];
	vm12 =	vgt.f32 v43, v4;
	v14 =	vsel vm1, $0x41C00000, v14;
	vm3 =	vgt.f32 v48, v5  }
0x4b: {  	v16 =	vld [tilespmem:$0x1FF60];
	v4 =	vsel vm12, v43, v4;
	v14 =	vsel vm10, $0x41C80000, v14;
	v5 =	vsel vm3, v48, v5  }
0x4c: {  	v55 =	vld [tilespmem:s5+$0x1A80];
	vm10 =	vgt.f32 v45, v4;
	v14 =	vsel vm12, $0x41D00000, v14;
	vm2 =	vgt.f32 v50, v5  }
0x4d: {  	v17 =	vld [tilespmem:$0x1FF80];
	v4 =	vsel vm10, v45, v4;
	v14 =	vsel vm10, $0x41D80000, v14;
	v5 =	vsel vm2, v50, v5  }
0x4e: {  	v56 =	vld [tilespmem:s5+$0x1B00];
	vm10 =	vnez.u8 v57;
	v50 =	vimm.s32 $0x0;
	vm12 =	vgt.f32 v47, v4  }
0x4f: {  	v19 =	vld [tilespmem:$0x1FF90];
	[tilespmem:$0x1FFA0] =	vst v15;
	v15 =	vsel vm10, $0x42040000, v1;
	vm1 =	vgt.f32 v52, v5;
	vm10 =	vnez.u8 v60  }
0x50: {  	v21 =	vld [tilespmem:$0x1FFA0];
	v4 =	vsel vm12, v47, v4;
	v14 =	vsel vm12, $0x41E00000, v14;
	vm12 =	vnez.u8 v16  }
0x51: {  	v58 =	vld [tilespmem:s5+$0x1B80];
	v5 =	vsel vm1, v52, v5;
	v47 =	vimm.s32 $0x0;
	v15 =	vsel vm12, $0x42080000, v15  }
0x52: {  	v59 =	vld [tilespmem:s5+$0x1C00];
	vm4 =	vgt.f32 v49, v4;
	vm12 =	vnez.u8 v17;
	v15 =	vsel vm10, $0x420C0000, v15  }
0x53: {  	v61 =	vld [tilespmem:s5+$0x1C80];
	vm10 =	vgt.f32 v54, v5;
	v4 =	vsel vm4, v49, v4;
	v63 =	vsel vm4, $0x41E80000, v14  }
0x54: {  	v22 =	vld [tilespmem:s5+$0x2000];
	v15 =	vsel vm12, $0x42100000, v15;
	v5 =	vsel vm10, v54, v5;
	vm12 =	vnez.u8 v19  }
0x55: {  	v62 =	vld [tilespmem:s5+$0x1D00];
	v14 =	vsel vm12, $0x42140000, v15;
	vm4 =	vgt.f32 v55, v5;
	vm12 =	vnez.u8 v21  }
0x56: {  	v25 =	vld [tilespmem:s5+$0x1E00];
	v14 =	vsel vm12, $0x42180000, v14;
	vm12 =	vgt.f32 v51, v4;
	v5 =	vsel vm4, v55, v5  }
0x57: {  	v24 =	vld [tilespmem:s5+$0x2080];
	v4 =	vsel vm12, v51, v4;
	v23 =	vsel vm5, $0x421C0000, v14;
	vm5 =	vgt.f32 v56, v5  }
0x58: {  	v20 =	vld [tilespmem:s5+$0x1D80];
	v12 =	vsel vm12, $0x41F00000, v63;
	v9 =	vsel vm7, $0x42200000, v23;
	v5 =	vsel vm5, v56, v5  }
0x59: {  	v26 =	vld [tilespmem:s5+$0x2100];
	vm12 =	vgt.f32 v53, v4;
	v9 =	vsel vm8, $0x42240000, v9;
	vm8 =	vgt.f32 v58, v5  }
0x5a: {  	v28 =	vld [tilespmem:s5+$0x1E80];
	v4 =	vsel vm12, v53, v4;
	v53 =	vimm.s32 $0x0;
	v27 =	vsel vm9, $0x42280000, v9  }
0x5b: {  	v29 =	vld [tilespmem:s5+$0x2180];
	v8 =	vsel vm8, v58, v5;
	v5 =	vsel vm12, $0x41F80000, v12;
	v7 =	vsel vm6, $0x422C0000, v27  }
0x5c: {  	v30 =	vld [tilespmem:s5+$0x1F00];
	vm12 =	vgt.f32 v59, v8;
	vm6 =	vgt.f32 v24, v22;
	v7 =	vsel vm11, $0x42300000, v7  }
0x5d: {  	v32 =	vld [tilespmem:s5+$0x1F80];
	v8 =	vsel vm12, v59, v8;
	v10 =	vsel vm6, v24, v22;
	v57 =	vsel vm6, $0x42820000, v2  }
0x5e: {  	v31 =	vld [tilespmem:s5+$0x2200];
	v7 =	vsel vm0, $0x42340000, v7;
	vm0 =	vgt.f32 v61, v8;
	vm7 =	vgt.f32 v26, v10  }
0x5f: {  	v34 =	vld [tilespmem:s5+$0x2300];
	v7 =	vsel vm13, $0x42380000, v7;
	v8 =	vsel vm0, v61, v8;
	v10 =	vsel vm7, v26, v10  }
0x60: {  	v36 =	vld [tilespmem:s5+$0x3080];
	v16 =	vsel vm7, $0x42840000, v57;
	v7 =	vsel vm14, $0x423C0000, v7;
	vm13 =	vgt.f32 v62, v8  }
0x61: {  	v33 =	vld [tilespmem:s5+$0x2280];
	vm14 =	vgt.f32 v29, v10;
	v7 =	vsel vm15, $0x42400000, v7;
	v6 =	vsel vm13, v62, v8  }
0x62: {  	v38 =	vld [tilespmem:s5+$0x3100];
	v10 =	vsel vm14, v29, v10;
	v60 =	vsel vm14, $0x42860000, v16;
	v7 =	vsel vm3, $0x42440000, v7  }
0x63: {  	v35 =	vld [tilespmem:s5+$0x3000];
	vm3 =	vgt.f32 v20, v6;
	vm9 =	vgt.f32 v31, v10;
	v7 =	vsel vm2, $0x42480000, v7  }
0x64: {  	v40 =	vld [tilespmem:s5+$0x3180];
	v6 =	vsel vm3, v20, v6;
	v10 =	vsel vm9, v31, v10;
	v7 =	vsel vm1, $0x424C0000, v7  }
0x65: {  	v37 =	vld [tilespmem:s5+$0x2380];
	v11 =	vsel vm9, $0x42880000, v60;
	vm1 =	vgt.f32 v25, v6;
	v7 =	vsel vm10, $0x42500000, v7  }
0x66: {  	v42 =	vld [tilespmem:s5+$0x3200];
	v6 =	vsel vm1, v25, v6;
	vm10 =	vgt.f32 v33, v10;
	v7 =	vsel vm4, $0x42540000, v7  }
0x67: {  	v39 =	vld [tilespmem:s5+$0x2400];
	vm4 =	vgt.f32 v28, v6;
	v10 =	vsel vm10, v33, v10;
	v11 =	vsel vm10, $0x428A0000, v11  }
0x68: {  	v41 =	vld [tilespmem:s5+$0x2480];
	v7 =	vsel vm5, $0x42580000, v7;
	v6 =	vsel vm4, v28, v6;
	vm11 =	vgt.f32 v34, v10  }
0x69: {  	v46 =	vld [tilespmem:s5+$0x2580];
	vm5 =	vgt.f32 v36, v35;
	v7 =	vsel vm8, $0x425C0000, v7;
	v8 =	vsel vm11, v34, v10  }
0x6a: {  	v43 =	vld [tilespmem:s5+$0x2500];
	v18 =	vsel vm5, $0xFFFFFFFF, v18;
	v12 =	vsel vm5, v36, v35;
	v7 =	vsel vm12, $0x42600000, v7  }
0x6b: {  	v48 =	vld [tilespmem:s5+$0x3300];
	vm12 =	vgt.f32 v37, v8;
	vm8 =	vgt.f32 v38, v12;
	v7 =	vsel vm0, $0x42640000, v7  }
0x6c: {  	v45 =	vld [tilespmem:s5+$0x3280];
	[tilespmem:$0x1FFB0] =	vst v18;
	v8 =	vsel vm12, v37, v8;
	v18 =	vsel vm8, $0xFFFFFFFF, v44;
	v12 =	vsel vm8, v38, v12  }
0x6d: {  	v52 =	vld [tilespmem:s5+$0x2680];
	v7 =	vsel vm13, $0x42680000, v7;
	vm13 =	vgt.f32 v39, v8;
	vm5 =	vgt.f32 v40, v12  }
0x6e: {  	v49 =	vld [tilespmem:s5+$0x2600];
	v7 =	vsel vm3, $0x426C0000, v7;
	v8 =	vsel vm13, v39, v8;
	v9 =	vsel vm5, v40, v12  }
0x6f: {  	v54 =	vld [tilespmem:s5+$0x3400];
	[tilespmem:$0x1FFC0] =	vst v18;
	v18 =	vsel vm5, $0xFFFFFFFF, v47;
	vm5 =	vgt.f32 v41, v8;
	vm15 =	vgt.f32 v42, v9  }
0x70: {  	v51 =	vld [tilespmem:s5+$0x3380];
	v7 =	vsel vm1, $0x42700000, v7;
	v8 =	vsel vm5, v41, v8;
	v9 =	vsel vm15, v42, v9  }
0x71: {  	v21 =	vld [tilespmem:s5+$0x2900];
	[tilespmem:$0x1FFD0] =	vst v18;
	v18 =	vsel vm15, $0xFFFFFFFF, v50;
	vm15 =	vgt.f32 v43, v8;
	vm1 =	vgt.f32 v45, v9  }
0x72: {  	v55 =	vld [tilespmem:s5+$0x2700];
	vm8 =	vgt.f32 v30, v6;
	v8 =	vsel vm15, v43, v8;
	v9 =	vsel vm1, v45, v9  }
0x73: {  	v63 =	vld [tilespmem:s5+$0x2880];
	v7 =	vsel vm4, $0x42740000, v7;
	vm3 =	vgt.f32 v46, v8;
	vm4 =	vgt.f32 v48, v9  }
0x74: {  	v56 =	vld [tilespmem:s5+$0x3480];
	v6 =	vsel vm8, v30, v6;
	v8 =	vsel vm3, v46, v8;
	v9 =	vsel vm4, v48, v9  }
0x75: {  	v58 =	vld [tilespmem:s5+$0x2780];
	v7 =	vsel vm8, $0x42780000, v7;
	vm2 =	vgt.f32 v49, v8;
	vm6 =	vgt.f32 v51, v9  }
0x76: {  	v59 =	vld [tilespmem:s5+$0x3500];
	vm8 =	vgt.f32 v32, v6;
	v8 =	vsel vm2, v49, v8;
	v9 =	vsel vm6, v51, v9  }
0x77: {  	v61 =	vld [tilespmem:s5+$0x2800];
	[tilespmem:$0x1FFE0] =	vst v18;
	v18 =	vsel vm1, $0xFFFFFFFF, v53;
	vm14 =	vgt.f32 v52, v8;
	vm7 =	vgt.f32 v54, v9  }
0x78: {  	v62 =	vld [tilespmem:s5+$0x3580];
	v6 =	vsel vm8, v32, v6;
	v8 =	vsel vm14, v52, v8;
	v9 =	vsel vm7, v54, v9  }
0x79: {  	v23 =	vld [tilespmem:s5+$0x2980];
	v7 =	vsel vm8, $0x427C0000, v7;
	vm1 =	vgt.f32 v55, v8;
	vm8 =	vgt.f32 v56, v9  }
0x7a: {  	v20 =	vld [tilespmem:s5+$0x3600];
	v11 =	vsel vm11, $0x428C0000, v11;
	v8 =	vsel vm1, v55, v8;
	v9 =	vsel vm8, v56, v9  }
0x7b: {  	v27 =	vld [tilespmem:s5+$0x2A80];
	v11 =	vsel vm12, $0x428E0000, v11;
	vm0 =	vgt.f32 v58, v8;
	vm9 =	vgt.f32 v59, v9  }
0x7c: {  	v22 =	vld [tilespmem:s5+$0x3680];
	v11 =	vsel vm13, $0x42900000, v11;
	v8 =	vsel vm0, v58, v8;
	v9 =	vsel vm9, v59, v9  }
0x7d: {  	v24 =	vld [tilespmem:s5+$0x3700];
	v11 =	vsel vm5, $0x42920000, v11;
	vm5 =	vgt.f32 v61, v8;
	vm10 =	vgt.f32 v62, v9  }
0x7e: {  	v26 =	vld [tilespmem:s5+$0x3780];
	v11 =	vsel vm15, $0x42940000, v11;
	v8 =	vsel vm5, v61, v8;
	v9 =	vsel vm10, v62, v9  }
0x7f: {  	v29 =	vld [tilespmem:s5+$0x2B00];
	v11 =	vsel vm3, $0x42960000, v11;
	vm3 =	vgt.f32 v63, v8;
	vm11 =	vgt.f32 v20, v9  }
0x80: {  	v25 =	vld [tilespmem:s5+$0x2A00];
	v11 =	vsel vm2, $0x42980000, v11;
	v8 =	vsel vm3, v63, v8;
	v9 =	vsel vm11, v20, v9  }
0x81: {  	v31 =	vld [tilespmem:s5+$0x3900];
	v11 =	vsel vm14, $0x429A0000, v11;
	vm2 =	vgt.f32 v21, v8;
	vm12 =	vgt.f32 v22, v9  }
0x82: {  	v28 =	vld [tilespmem:s5+$0x3800];
	v11 =	vsel vm1, $0x429C0000, v11;
	v8 =	vsel vm2, v21, v8;
	v9 =	vsel vm12, v22, v9  }
0x83: {  	v35 =	vld [tilespmem:$0x1FFB0];
	v11 =	vsel vm0, $0x429E0000, v11;
	vm0 =	vgt.f32 v23, v8;
	vm13 =	vgt.f32 v24, v9  }
0x84: {  	v30 =	vld [tilespmem:s5+$0x3880];
	v11 =	vsel vm5, $0x42A00000, v11;
	v8 =	vsel vm0, v23, v8;
	v9 =	vsel vm13, v24, v9  }
0x85: {  	v37 =	vld [tilespmem:$0x1FFC0];
	v11 =	vsel vm3, $0x42A20000, v11;
	vm1 =	vgt.f32 v25, v8;
	vm14 =	vgt.f32 v26, v9  }
0x86: {  	v38 =	vld [tilespmem:$0x1FFD0];
	v11 =	vsel vm2, $0x42A40000, v11;
	v8 =	vsel vm1, v25, v8;
	v9 =	vsel vm14, v26, v9  }
0x87: {  	v32 =	vld [tilespmem:s5+$0x2B80];
	v11 =	vsel vm0, $0x42A60000, v11;
	vm5 =	vgt.f32 v27, v8;
	vm15 =	vgt.f32 v28, v9  }
0x88: {  	v41 =	vld [tilespmem:$0x1FFE0];
	v11 =	vsel vm1, $0x42A80000, v11;
	v8 =	vsel vm5, v27, v8;
	v9 =	vsel vm15, v28, v9  }
0x89: {  	v33 =	vld [tilespmem:s5+$0x3980];
	[tilespmem:$0x1FFF0] =	vst v18;
	v11 =	vsel vm5, $0x42AA0000, v11;
	vm5 =	vnez.u8 v35;
	vm1 =	vgt.f32 v29, v8  }
0x8a: {  	v42 =	vld [tilespmem:$0x1FFF0];
	vm0 =	vgt.f32 v30, v9;
	v17 =	vsel vm5, $0x42C20000, v3;
	vm5 =	vnez.u8 v37  }
0x8b: {  	v34 =	vld [tilespmem:s5+$0x2C00];
	v8 =	vsel vm1, v29, v8;
	v9 =	vsel vm0, v30, v9;
	v11 =	vsel vm1, $0x42AC0000, v11  }
0x8c: {  	v36 =	vld [tilespmem:s5+$0x3A00];
	v14 =	vsel vm5, $0x42C40000, v17;
	vm5 =	vnez.u8 v38;
	vm1 =	vgt.f32 v31, v9  }
0x8d: {  	v14 =	vsel vm5, $0x42C60000, v14;
	vm3 =	vgt.f32 v32, v8;
	vm5 =	vnez.u8 v41  }
0x8e: {  	v39 =	vld [tilespmem:s5+$0x3A80];
	v9 =	vsel vm1, v31, v9;
	v8 =	vsel vm3, v32, v8;
	v14 =	vsel vm5, $0x42C80000, v14  }
0x8f: {  	v40 =	vld [tilespmem:s5+$0x2C80];
	v11 =	vsel vm3, $0x42AE0000, v11;
	vm3 =	vnez.u8 v42;
	vm2 =	vgt.f32 v33, v9  }
0x90: {  	v43 =	vld [tilespmem:s5+$0x3B00];
	v14 =	vsel vm3, $0x42CA0000, v14;
	v9 =	vsel vm2, v33, v9  }
0x91: {  	v44 =	vld [tilespmem:s5+$0x2D00];
	vm5 =	vgt.f32 v34, v8;
	v14 =	vsel vm4, $0x42CC0000, v14;
	vm3 =	vgt.f32 v36, v9  }
0x92: {  	v45 =	vld [tilespmem:s5+$0x3B80];
	v8 =	vsel vm5, v34, v8;
	v14 =	vsel vm6, $0x42CE0000, v14;
	v9 =	vsel vm3, v36, v9  }
0x93: {  	v11 =	vsel vm5, $0x42B00000, v11;
	v14 =	vsel vm7, $0x42D00000, v14;
	vm4 =	vgt.f32 v39, v9  }
0x94: {  	v46 =	vld [tilespmem:s5+$0x3C00];
	vm6 =	vgt.f32 v40, v8;
	v14 =	vsel vm8, $0x42D20000, v14;
	v9 =	vsel vm4, v39, v9  }
0x95: {  	v47 =	vld [tilespmem:s5+$0x2D80];
	v8 =	vsel vm6, v40, v8;
	v14 =	vsel vm9, $0x42D40000, v14;
	vm5 =	vgt.f32 v43, v9  }
0x96: {  	v48 =	vld [tilespmem:s5+$0x3C80];
	v11 =	vsel vm6, $0x42B20000, v11;
	v14 =	vsel vm10, $0x42D60000, v14;
	v9 =	vsel vm5, v43, v9  }
0x97: {  	v50 =	vld [tilespmem:s5+$0x3D00];
	vm10 =	vgt.f32 v44, v8;
	v14 =	vsel vm11, $0x42D80000, v14;
	vm6 =	vgt.f32 v45, v9  }
0x98: {  	v49 =	vld [tilespmem:s5+$0x2E00];
	v8 =	vsel vm10, v44, v8;
	v14 =	vsel vm12, $0x42DA0000, v14;
	v9 =	vsel vm6, v45, v9  }
0x99: {  	v11 =	vsel vm10, $0x42B40000, v11;
	v14 =	vsel vm13, $0x42DC0000, v14;
	vm7 =	vgt.f32 v46, v9  }
0x9a: {  	v51 =	vld [tilespmem:s5+$0x3D80];
	v14 =	vsel vm14, $0x42DE0000, v14;
	vm14 =	vgt.f32 v47, v8;
	v9 =	vsel vm7, v46, v9  }
0x9b: {  	v52 =	vld [tilespmem:s5+$0x2E80];
	v8 =	vsel vm14, v47, v8;
	v14 =	vsel vm15, $0x42E00000, v14;
	vm9 =	vgt.f32 v48, v9  }
0x9c: {  	v53 =	vld [tilespmem:s5+$0x3E00];
	v11 =	vsel vm14, $0x42B60000, v11;
	v14 =	vsel vm0, $0x42E20000, v14;
	v9 =	vsel vm9, v48, v9  }
0x9d: {  	vm10 =	vgt.f32 v49, v8;
	v14 =	vsel vm1, $0x42E40000, v14;
	vm11 =	vgt.f32 v50, v9  }
0x9e: {  	v55 =	vld [tilespmem:s5+$0x3E80];
	v8 =	vsel vm10, v49, v8;
	v14 =	vsel vm2, $0x42E60000, v14;
	v9 =	vsel vm11, v50, v9  }
0x9f: {  	v54 =	vld [tilespmem:s5+$0x2F00];
	v11 =	vsel vm10, $0x42B80000, v11;
	v14 =	vsel vm3, $0x42E80000, v14;
	vm12 =	vgt.f32 v51, v9  }
0xa0: {  	v56 =	vld [tilespmem:s5+$0x3F00];
	vm13 =	vgt.f32 v52, v8;
	v14 =	vsel vm4, $0x42EA0000, v14;
	v9 =	vsel vm12, v51, v9  }
0xa1: {  	v57 =	vld [tilespmem:s5+$0x2F80];
	v8 =	vsel vm13, v52, v8;
	v14 =	vsel vm5, $0x42EC0000, v14;
	vm14 =	vgt.f32 v53, v9  }
0xa2: {  	v58 =	vld [tilespmem:s5+$0x3F80];
	v11 =	vsel vm13, $0x42BA0000, v11;
	v14 =	vsel vm6, $0x42EE0000, v14;
	v9 =	vsel vm14, v53, v9  }
0xa3: {  	vm13 =	vgt.f32 v6, v4;
	v14 =	vsel vm7, $0x42F00000, v14;
	vm8 =	vgt.f32 v55, v9  }
0xa4: {  	vm15 =	vgt.f32 v54, v8;
	v14 =	vsel vm9, $0x42F20000, v14;
	v9 =	vsel vm8, v55, v9  }
0xa5: {  	v4 =	vsel vm13, v6, v4;
	v59 =	vsel vm11, $0x42F40000, v14;
	vm10 =	vgt.f32 v56, v9  }
0xa6: {  	v8 =	vsel vm15, v54, v8;
	v60 =	vsel vm12, $0x42F60000, v59;
	v9 =	vsel vm10, v56, v9  }
0xa7: {  	vm11 =	vgt.f32 v57, v8;
	v12 =	vsel vm14, $0x42F80000, v60;
	vm12 =	vgt.f32 v58, v9  }
0xa8: {  	v8 =	vsel vm11, v57, v8;
	v12 =	vsel vm8, $0x42FA0000, v12;
	v9 =	vsel vm12, v58, v9  }
0xa9: {  	v11 =	vsel vm15, $0x42BC0000, v11;
	v61 =	vsel vm10, $0x42FC0000, v12;
	vm14 =	vgt.f32 v9, v8  }
0xaa: {  	v11 =	vsel vm11, $0x42BE0000, v11;
	v10 =	vsel vm12, $0x42FE0000, v61;
	v62 =	vsel vm14, v9, v8  }
0xab: {  	v5 =	vsel vm13, v7, v5;
	v63 =	vsel vm14, v10, v11;
	vm15 =	vgt.f32 v62, v4  }
0xac: {  	p0 =	sne.s32 s7, $0x1;
	v4 =	vsel vm15, v63, v5  }
.Ltmp0:
0xad: {  	[tilespmem:$0x4000] =	vst v4;
	(pc) =	sbr.rel @p0 .LBB2_1-.Ltmp0, $4  }
0xae: {  	[hbm4b:s6+s2] =	stream.linear.scatter [tilespmem:s8], [sflag:$0x1], $0x80, $0x38;
	[tilespmem:$0x4080] =	vst v63  }
0xaf: {  	_ =	swait.ge [sflag:s3], $0x80  }
0xb0: {  	[sflag:s3] =	ssyncset.done $0x0  }
0xb1: {  	s7 =	sadd.s32 $0xFFFFFFFF, s7;
	[sflag:s3] =	ssyncadd.s32 $0xFFFFFF80  }
0xb2: {  	_ =	sfence.sel $0x180000  }
0xb3: {  	[bflag:$0x0] =	sbarrier.arrive $0xFFFF  }
0xb4: {  	p0 =	sne.s32 s0, $0x0;
	_ =	strace $0x90000047  }
0xb5: {  	s0 =	sadd.s32 @!p0 $0x100000, s1;
	[bflag:$0x2] =	sbarrier.arrive $0xFFFF  }
0xb6: {  	[sflag:s0] =	ssyncadd.tile.s32 @!p0 $0x1;
	_ =	shalt  }
.Lfunc_end2:
_tile_overlayer_lowered:
.L_overlay_start_2:
0xb7: {  	(tag) =	ssettag $0x2  }
0xb8: {  	s0 =	rddreg [dreg:$0x0];
	s2 =	stileid.u32  }
0xb9: {  	s1 =	rddreg [dreg:$0x1];
	p0 =	sne.s32 s2, $0x0  }
0xba: {  	s3 =	rddreg [dreg:$0x2];
	[bflag:$0x3] =	sbarrier.arrive $0xFFFF;
	s2 =	simm.s32 @!p0 $0x1C01  }
0xbb: {  	[timem:s3], [sflag:s2] =	dma.local @!p0 [hbm:s0], s1  }
0xbc: {  	s0 =	simm.s32 @!p0 $0x1  }
0xbd: {  	_ =	swait.ge @!p0 [sflag:s0], s1  }
0xbe: {  	s1 =	ssub.s32 @!p0 $0x0, s1;
	[sflag:s0] =	ssyncset.done @!p0 $0x0  }
0xbf: {  	[sflag:s0] =	ssyncadd.s32 @!p0 s1  }
0xc0: {  	[bflag:$0x3] =	sbarrier.arrive $0xFFFF  }
0xc1: {  	_ =	shalt  }

</sc_bundles>
